<compile_context>
chip_gen: v7x
topology: tpu7x:2x2x1
jax: 0.10.2.dev20260603
libtpu: 0.0.44.dev20260713+nightly
codegen_flags: <defaults>
</compile_context>

<pallas_src>
import functools

import jax
import jax.numpy as jnp
from jax import lax
from jax.experimental import pallas as pl
from jax.experimental.pallas import tpu as pltpu
from jax.experimental.pallas import tpu_sc as plsc

DIM = 128
ROWS = 1000
BATCH = 16384
NC, NS = 2, 16
NW = NC * NS
B_PER_W = BATCH // NW
CHUNK = 64
NCHUNK = B_PER_W // CHUNK
NBUF = 4
STAGE_ROWS = 64
STAGE_TAIL = ROWS - 15 * STAGE_ROWS

_mesh = plsc.VectorSubcoreMesh(
    core_axis_name="c", subcore_axis_name="s", num_cores=NC
)


@functools.partial(
    pl.kernel,
    mesh=_mesh,
    out_type=jax.ShapeDtypeStruct((BATCH, DIM), jnp.float32),
    scratch_types=[
        pltpu.VMEM_SHARED((ROWS, DIM), jnp.float32),
        pltpu.VMEM((NCHUNK, CHUNK), jnp.int32),
        pltpu.VMEM((NBUF, CHUNK, DIM), jnp.float32),
    ]
    + [pltpu.SemaphoreType.DMA] * NBUF
    + [pltpu.SemaphoreType.DMA] * NBUF,
)
def _gather_kernel(idx_hbm, table_hbm, out_hbm, table_spm, idx_v, rows_v, *sems):
    gsems, ssems = sems[:NBUF], sems[NBUF:]
    sid = lax.axis_index("s")
    wid = sid * NC + lax.axis_index("c")
    base = wid * B_PER_W

    @pl.when(sid < 15)
    def _stage():
        off = pl.multiple_of(sid * STAGE_ROWS, 8)
        pltpu.sync_copy(
            table_hbm.at[pl.ds(off, STAGE_ROWS)],
            table_spm.at[pl.ds(off, STAGE_ROWS)],
        )

    @pl.when(sid == 15)
    def _stage_tail():
        off = pl.multiple_of(15 * STAGE_ROWS, 8)
        pltpu.sync_copy(
            table_hbm.at[pl.ds(off, STAGE_TAIL)],
            table_spm.at[pl.ds(off, STAGE_TAIL)],
        )

    pltpu.sync_copy(idx_hbm.at[pl.ds(wid * NCHUNK, NCHUNK)], idx_v)
    plsc.subcore_barrier()

    def gather(j, b):
        return pltpu.async_copy(
            table_spm.at[idx_v.at[j]], rows_v.at[b], gsems[b]
        )

    gh = [gather(j, j % NBUF) for j in range(min(NBUF, NCHUNK))]
    sh = [None] * NBUF
    for j in range(NCHUNK):
        b = j % NBUF
        gh[b].wait()
        sh[b] = pltpu.async_copy(
            rows_v.at[b], out_hbm.at[pl.ds(base + j * CHUNK, CHUNK)], ssems[b]
        )
        prev, nxt = j - 1, j - 1 + NBUF
        if prev >= 0 and nxt < NCHUNK:
            pb = prev % NBUF
            sh[pb].wait()
            gh[pb] = gather(nxt, pb)
            sh[pb] = None
    for b in range(NBUF):
        if sh[b] is not None:
            sh[b].wait()


def kernel(timesteps, pe):
    idx2d = timesteps.astype(jnp.int32).reshape(NW * NCHUNK, CHUNK)
    return _gather_kernel(idx2d, pe)

# --- scband reference (transcript-rebuilt; emitter-appended) ---
"""Pipeline reference for scband-sinusoidal-time-embedding-13134009991362 (READ-ONLY COPY).

The authoritative reference and input builder live on the scoring server;
editing this copy changes nothing except your own understanding.
"""

import jax, jax.numpy as jnp
import numpy as np

DIM = 128
NUM_TIMESTEPS = 1000
BATCH = 16384

def _compute_pe(num_timesteps, dim):
    position = jnp.arange(num_timesteps).astype(jnp.float32)[:, None]
    div_term = jnp.exp(jnp.arange(0, dim, 2).astype(jnp.float32) * (-np.log(10000.0) / dim))
    pe = jnp.zeros((num_timesteps, dim), dtype=jnp.float32)
    pe = pe.at[:, 0::2].set(jnp.sin(position * div_term))
    pe = pe.at[:, 1::2].set(jnp.cos(position * div_term))
    return pe

def setup_inputs(seed: int = 0) -> dict:
    key = jax.random.key(seed)
    timesteps = jax.random.randint(key, (BATCH,), 0, NUM_TIMESTEPS, dtype=jnp.int64 if jax.config.jax_enable_x64 else jnp.int32)
    pe = _compute_pe(NUM_TIMESTEPS, DIM)
    return {"timesteps": timesteps, "pe": pe}

def reference(timesteps, pe):
    # Embedding lookup: pe[timesteps] -> shape timesteps.shape + (dim,)
    return jnp.take(pe, timesteps, axis=0)

if __name__ == "__main__":
    import jax
    _d = setup_inputs()
    print(jax.jit(kernel)(*tuple(_d.values())))

</pallas_src>

<mosaic_0001>
#map = affine_map<(d0, d1) -> (0, 0)>
module attributes {stable_mosaic.version = 14 : i64} {
  func.func @_gather_kernel(%arg0: i32, %arg1: i32, %arg2: memref<256x64xi32, #tpu.memory_space<hbm>>, %arg3: memref<1000x128xf32, #tpu.memory_space<hbm>>, %arg4: memref<16384x128xf32, #tpu.memory_space<hbm>>, %arg5: memref<1000x128xf32, #tpu.memory_space<vmem_shared>>, %arg6: memref<8x64xi32, #tpu.memory_space<vmem>>, %arg7: memref<4x64x128xf32, #tpu.memory_space<vmem>>, %arg8: memref<!tpu.dma_semaphore, #tpu.memory_space<semaphore_mem>>, %arg9: memref<!tpu.dma_semaphore, #tpu.memory_space<semaphore_mem>>, %arg10: memref<!tpu.dma_semaphore, #tpu.memory_space<semaphore_mem>>, %arg11: memref<!tpu.dma_semaphore, #tpu.memory_space<semaphore_mem>>, %arg12: memref<!tpu.dma_semaphore, #tpu.memory_space<semaphore_mem>>, %arg13: memref<!tpu.dma_semaphore, #tpu.memory_space<semaphore_mem>>, %arg14: memref<!tpu.dma_semaphore, #tpu.memory_space<semaphore_mem>>, %arg15: memref<!tpu.dma_semaphore, #tpu.memory_space<semaphore_mem>>) attributes {dimension_semantics = [#tpu.dimension_semantics<core_parallel>, #tpu.dimension_semantics<subcore_parallel>], iteration_bounds = array<i64: 2, 16>, scalar_prefetch = 0 : i64, scratch_operands = 11 : i64, tpu.core_type = #tpu.core_type<sc_vector_subcore>, window_params = [{transform_indices = #map}, {transform_indices = #map}, {transform_indices = #map}]} {
    %mul3A = arith.constant 2 : i32
    %mul3A_0 = arith.muli %arg1, %mul3A : i32
    %add3A = arith.addi %mul3A_0, %arg0 : i32
    %mul3A_1 = arith.constant 512 : i32
    %mul3A_2 = arith.muli %add3A, %mul3A_1 : i32
    %lt3A = arith.constant 15 : i32
    %lt3A_3 = arith.cmpi slt, %arg1, %lt3A : i32
    %convert_element_type3A = arith.extui %lt3A_3 : i1 to i32
    %cond3A = arith.constant 0 : i32
    %cond3A_4 = arith.cmpi ne, %convert_element_type3A, %cond3A : i32
    scf.if %cond3A_4 {
      %mul3A_425 = arith.constant 64 : i32
      %mul3A_426 = arith.muli %arg1, %mul3A_425 : i32
      %multiple_of3A = tpu.assume_multiple %mul3A_426, 8 : i32
      "tpu.region"() ({
        %run_scoped3A = tpu.sem_alloc : memref<!tpu.dma_semaphore, #tpu.memory_space<semaphore_mem>>
        %dma_start3A_427 = arith.constant 0 : i32
        %dma_start3A_428 = tpu.memref_slice %arg5[%multiple_of3A, %dma_start3A_427] : memref<1000x128xf32, #tpu.memory_space<vmem_shared>> -> memref<64x128xf32, #tpu.memory_space<vmem_shared>>
        %dma_start3A_429 = arith.constant 0 : i32
        %dma_start3A_430 = tpu.memref_slice %arg3[%multiple_of3A, %dma_start3A_429] : memref<1000x128xf32, #tpu.memory_space<hbm>> -> memref<64x128xf32, #tpu.memory_space<hbm>>
        tpu.enqueue_dma source(%dma_start3A_430 : memref<64x128xf32, #tpu.memory_space<hbm>>) target(%dma_start3A_428 : memref<64x128xf32, #tpu.memory_space<vmem_shared>>) target_semaphore(%run_scoped3A : memref<!tpu.dma_semaphore, #tpu.memory_space<semaphore_mem>>)
        %dma_wait3A_431 = arith.constant 0 : i32
        %dma_wait3A_432 = tpu.memref_slice %arg5[%multiple_of3A, %dma_wait3A_431] : memref<1000x128xf32, #tpu.memory_space<vmem_shared>> -> memref<64x128xf32, #tpu.memory_space<vmem_shared>>
        %dma_wait3A_433 = arith.constant 0 : i32
        %dma_wait3A_434 = tpu.memref_slice %arg3[%multiple_of3A, %dma_wait3A_433] : memref<1000x128xf32, #tpu.memory_space<hbm>> -> memref<64x128xf32, #tpu.memory_space<hbm>>
        tpu.wait_dma2 semaphore(%run_scoped3A : memref<!tpu.dma_semaphore, #tpu.memory_space<semaphore_mem>>) src(%dma_wait3A_434 : memref<64x128xf32, #tpu.memory_space<hbm>>) dst(%dma_wait3A_432 : memref<64x128xf32, #tpu.memory_space<vmem_shared>>)
        tpu.yield
      }) : () -> ()
    } else {
    }
    %eq3A = arith.constant 15 : i32
    %eq3A_5 = arith.cmpi eq, %arg1, %eq3A : i32
    %convert_element_type3A_6 = arith.extui %eq3A_5 : i1 to i32
    %cond3A_7 = arith.constant 0 : i32
    %cond3A_8 = arith.cmpi ne, %convert_element_type3A_6, %cond3A_7 : i32
    scf.if %cond3A_8 {
      %multiple_of3A = arith.constant 960 : i32
      %multiple_of3A_425 = tpu.assume_multiple %multiple_of3A, 8 : i32
      "tpu.region"() ({
        %run_scoped3A = tpu.sem_alloc : memref<!tpu.dma_semaphore, #tpu.memory_space<semaphore_mem>>
        %dma_start3A_426 = arith.constant 0 : i32
        %dma_start3A_427 = tpu.memref_slice %arg5[%multiple_of3A_425, %dma_start3A_426] : memref<1000x128xf32, #tpu.memory_space<vmem_shared>> -> memref<40x128xf32, #tpu.memory_space<vmem_shared>>
        %dma_start3A_428 = arith.constant 0 : i32
        %dma_start3A_429 = tpu.memref_slice %arg3[%multiple_of3A_425, %dma_start3A_428] : memref<1000x128xf32, #tpu.memory_space<hbm>> -> memref<40x128xf32, #tpu.memory_space<hbm>>
        tpu.enqueue_dma source(%dma_start3A_429 : memref<40x128xf32, #tpu.memory_space<hbm>>) target(%dma_start3A_427 : memref<40x128xf32, #tpu.memory_space<vmem_shared>>) target_semaphore(%run_scoped3A : memref<!tpu.dma_semaphore, #tpu.memory_space<semaphore_mem>>)
        %dma_wait3A_430 = arith.constant 0 : i32
        %dma_wait3A_431 = tpu.memref_slice %arg5[%multiple_of3A_425, %dma_wait3A_430] : memref<1000x128xf32, #tpu.memory_space<vmem_shared>> -> memref<40x128xf32, #tpu.memory_space<vmem_shared>>
        %dma_wait3A_432 = arith.constant 0 : i32
        %dma_wait3A_433 = tpu.memref_slice %arg3[%multiple_of3A_425, %dma_wait3A_432] : memref<1000x128xf32, #tpu.memory_space<hbm>> -> memref<40x128xf32, #tpu.memory_space<hbm>>
        tpu.wait_dma2 semaphore(%run_scoped3A : memref<!tpu.dma_semaphore, #tpu.memory_space<semaphore_mem>>) src(%dma_wait3A_433 : memref<40x128xf32, #tpu.memory_space<hbm>>) dst(%dma_wait3A_431 : memref<40x128xf32, #tpu.memory_space<vmem_shared>>)
        tpu.yield
      }) : () -> ()
    } else {
    }
    %mul3A_9 = arith.constant 8 : i32
    %mul3A_10 = arith.muli %add3A, %mul3A_9 : i32
    "tpu.region"() ({
      %run_scoped3A = tpu.sem_alloc : memref<!tpu.dma_semaphore, #tpu.memory_space<semaphore_mem>>
      %dma_start3A_425 = arith.constant 0 : i32
      %dma_start3A_426 = tpu.memref_slice %arg2[%mul3A_10, %dma_start3A_425] : memref<256x64xi32, #tpu.memory_space<hbm>> -> memref<8x64xi32, #tpu.memory_space<hbm>>
      %dma_start3A_427 = arith.constant 0 : i32
      %dma_start3A_428 = tpu.memref_slice %arg2[%mul3A_10, %dma_start3A_427] : memref<256x64xi32, #tpu.memory_space<hbm>> -> memref<8x64xi32, #tpu.memory_space<hbm>>
      tpu.enqueue_dma source(%dma_start3A_428 : memref<8x64xi32, #tpu.memory_space<hbm>>) target(%arg6 : memref<8x64xi32, #tpu.memory_space<vmem>>) target_semaphore(%run_scoped3A : memref<!tpu.dma_semaphore, #tpu.memory_space<semaphore_mem>>)
      %dma_wait3A_429 = arith.constant 0 : i32
      %dma_wait3A_430 = tpu.memref_slice %arg2[%mul3A_10, %dma_wait3A_429] : memref<256x64xi32, #tpu.memory_space<hbm>> -> memref<8x64xi32, #tpu.memory_space<hbm>>
      %dma_wait3A_431 = arith.constant 0 : i32
      %dma_wait3A_432 = tpu.memref_slice %arg2[%mul3A_10, %dma_wait3A_431] : memref<256x64xi32, #tpu.memory_space<hbm>> -> memref<8x64xi32, #tpu.memory_space<hbm>>
      tpu.wait_dma2 semaphore(%run_scoped3A : memref<!tpu.dma_semaphore, #tpu.memory_space<semaphore_mem>>) src(%dma_wait3A_432 : memref<8x64xi32, #tpu.memory_space<hbm>>) dst(%arg6 : memref<8x64xi32, #tpu.memory_space<vmem>>)
      tpu.yield
    }) : () -> ()
    %barrier3A = arith.constant 0 : index
    tpu.barrier barrier_id(%barrier3A)
    %dma_start3A = arith.constant 0 : i32
    %dma_start3A_11 = arith.constant 0 : i32
    %dma_start3A_12 = arith.constant 0 : i32
    %dma_start3A_13 = arith.constant 0 : i32
    %dma_start3A_14 = tpu.memref_slice %arg7[%dma_start3A_11, %dma_start3A_12, %dma_start3A_13] : memref<4x64x128xf32, #tpu.memory_space<vmem>> -> memref<1x64x128xf32, #tpu.memory_space<vmem>>
    %dma_start3A_15 = tpu.memref_squeeze %dma_start3A_14 : memref<1x64x128xf32, #tpu.memory_space<vmem>> -> memref<64x128xf32, #tpu.memory_space<vmem>>
    %dma_start3A_16 = arith.constant 0 : i32
    %dma_start3A_17 = tpu.memref_slice %arg6[%dma_start3A, %dma_start3A_16] : memref<8x64xi32, #tpu.memory_space<vmem>> -> memref<1x64xi32, #tpu.memory_space<vmem>>
    %dma_start3A_18 = tpu.memref_squeeze %dma_start3A_17 : memref<1x64xi32, #tpu.memory_space<vmem>> -> memref<64xi32, #tpu.memory_space<vmem>>
    %dma_start3A_19 = arith.constant 0 : i32
    %dma_start3A_20 = arith.constant 0 : i32
    %dma_start3A_21 = tpu.memref_slice %arg5[%dma_start3A_19, %dma_start3A_20] : memref<1000x128xf32, #tpu.memory_space<vmem_shared>> -> memref<1000x128xf32, #tpu.memory_space<vmem_shared>>
    tpu.enqueue_indirect_dma source(%dma_start3A_21 : memref<1000x128xf32, #tpu.memory_space<vmem_shared>>) target(%dma_start3A_15 : memref<64x128xf32, #tpu.memory_space<vmem>>) offsets(%dma_start3A_18 : memref<64xi32, #tpu.memory_space<vmem>>) semaphore(%arg8 : memref<!tpu.dma_semaphore, #tpu.memory_space<semaphore_mem>>)
    %dma_start3A_22 = arith.constant 1 : i32
    %dma_start3A_23 = arith.constant 1 : i32
    %dma_start3A_24 = arith.constant 0 : i32
    %dma_start3A_25 = arith.constant 0 : i32
    %dma_start3A_26 = tpu.memref_slice %arg7[%dma_start3A_23, %dma_start3A_24, %dma_start3A_25] : memref<4x64x128xf32, #tpu.memory_space<vmem>> -> memref<1x64x128xf32, #tpu.memory_space<vmem>>
    %dma_start3A_27 = tpu.memref_squeeze %dma_start3A_26 : memref<1x64x128xf32, #tpu.memory_space<vmem>> -> memref<64x128xf32, #tpu.memory_space<vmem>>
    %dma_start3A_28 = arith.constant 0 : i32
    %dma_start3A_29 = tpu.memref_slice %arg6[%dma_start3A_22, %dma_start3A_28] : memref<8x64xi32, #tpu.memory_space<vmem>> -> memref<1x64xi32, #tpu.memory_space<vmem>>
    %dma_start3A_30 = tpu.memref_squeeze %dma_start3A_29 : memref<1x64xi32, #tpu.memory_space<vmem>> -> memref<64xi32, #tpu.memory_space<vmem>>
    %dma_start3A_31 = arith.constant 0 : i32
    %dma_start3A_32 = arith.constant 0 : i32
    %dma_start3A_33 = tpu.memref_slice %arg5[%dma_start3A_31, %dma_start3A_32] : memref<1000x128xf32, #tpu.memory_space<vmem_shared>> -> memref<1000x128xf32, #tpu.memory_space<vmem_shared>>
    tpu.enqueue_indirect_dma source(%dma_start3A_33 : memref<1000x128xf32, #tpu.memory_space<vmem_shared>>) target(%dma_start3A_27 : memref<64x128xf32, #tpu.memory_space<vmem>>) offsets(%dma_start3A_30 : memref<64xi32, #tpu.memory_space<vmem>>) semaphore(%arg9 : memref<!tpu.dma_semaphore, #tpu.memory_space<semaphore_mem>>)
    %dma_start3A_34 = arith.constant 2 : i32
    %dma_start3A_35 = arith.constant 2 : i32
    %dma_start3A_36 = arith.constant 0 : i32
    %dma_start3A_37 = arith.constant 0 : i32
    %dma_start3A_38 = tpu.memref_slice %arg7[%dma_start3A_35, %dma_start3A_36, %dma_start3A_37] : memref<4x64x128xf32, #tpu.memory_space<vmem>> -> memref<1x64x128xf32, #tpu.memory_space<vmem>>
    %dma_start3A_39 = tpu.memref_squeeze %dma_start3A_38 : memref<1x64x128xf32, #tpu.memory_space<vmem>> -> memref<64x128xf32, #tpu.memory_space<vmem>>
    %dma_start3A_40 = arith.constant 0 : i32
    %dma_start3A_41 = tpu.memref_slice %arg6[%dma_start3A_34, %dma_start3A_40] : memref<8x64xi32, #tpu.memory_space<vmem>> -> memref<1x64xi32, #tpu.memory_space<vmem>>
    %dma_start3A_42 = tpu.memref_squeeze %dma_start3A_41 : memref<1x64xi32, #tpu.memory_space<vmem>> -> memref<64xi32, #tpu.memory_space<vmem>>
    %dma_start3A_43 = arith.constant 0 : i32
    %dma_start3A_44 = arith.constant 0 : i32
    %dma_start3A_45 = tpu.memref_slice %arg5[%dma_start3A_43, %dma_start3A_44] : memref<1000x128xf32, #tpu.memory_space<vmem_shared>> -> memref<1000x128xf32, #tpu.memory_space<vmem_shared>>
    tpu.enqueue_indirect_dma source(%dma_start3A_45 : memref<1000x128xf32, #tpu.memory_space<vmem_shared>>) target(%dma_start3A_39 : memref<64x128xf32, #tpu.memory_space<vmem>>) offsets(%dma_start3A_42 : memref<64xi32, #tpu.memory_space<vmem>>) semaphore(%arg10 : memref<!tpu.dma_semaphore, #tpu.memory_space<semaphore_mem>>)
    %dma_start3A_46 = arith.constant 3 : i32
    %dma_start3A_47 = arith.constant 3 : i32
    %dma_start3A_48 = arith.constant 0 : i32
    %dma_start3A_49 = arith.constant 0 : i32
    %dma_start3A_50 = tpu.memref_slice %arg7[%dma_start3A_47, %dma_start3A_48, %dma_start3A_49] : memref<4x64x128xf32, #tpu.memory_space<vmem>> -> memref<1x64x128xf32, #tpu.memory_space<vmem>>
    %dma_start3A_51 = tpu.memref_squeeze %dma_start3A_50 : memref<1x64x128xf32, #tpu.memory_space<vmem>> -> memref<64x128xf32, #tpu.memory_space<vmem>>
    %dma_start3A_52 = arith.constant 0 : i32
    %dma_start3A_53 = tpu.memref_slice %arg6[%dma_start3A_46, %dma_start3A_52] : memref<8x64xi32, #tpu.memory_space<vmem>> -> memref<1x64xi32, #tpu.memory_space<vmem>>
    %dma_start3A_54 = tpu.memref_squeeze %dma_start3A_53 : memref<1x64xi32, #tpu.memory_space<vmem>> -> memref<64xi32, #tpu.memory_space<vmem>>
    %dma_start3A_55 = arith.constant 0 : i32
    %dma_start3A_56 = arith.constant 0 : i32
    %dma_start3A_57 = tpu.memref_slice %arg5[%dma_start3A_55, %dma_start3A_56] : memref<1000x128xf32, #tpu.memory_space<vmem_shared>> -> memref<1000x128xf32, #tpu.memory_space<vmem_shared>>
    tpu.enqueue_indirect_dma source(%dma_start3A_57 : memref<1000x128xf32, #tpu.memory_space<vmem_shared>>) target(%dma_start3A_51 : memref<64x128xf32, #tpu.memory_space<vmem>>) offsets(%dma_start3A_54 : memref<64xi32, #tpu.memory_space<vmem>>) semaphore(%arg11 : memref<!tpu.dma_semaphore, #tpu.memory_space<semaphore_mem>>)
    %dma_wait3A = arith.constant 0 : i32
    %dma_wait3A_58 = arith.constant 0 : i32
    %dma_wait3A_59 = arith.constant 0 : i32
    %dma_wait3A_60 = arith.constant 0 : i32
    %dma_wait3A_61 = tpu.memref_slice %arg7[%dma_wait3A_58, %dma_wait3A_59, %dma_wait3A_60] : memref<4x64x128xf32, #tpu.memory_space<vmem>> -> memref<1x64x128xf32, #tpu.memory_space<vmem>>
    %dma_wait3A_62 = tpu.memref_squeeze %dma_wait3A_61 : memref<1x64x128xf32, #tpu.memory_space<vmem>> -> memref<64x128xf32, #tpu.memory_space<vmem>>
    %dma_wait3A_63 = arith.constant 0 : i32
    %dma_wait3A_64 = tpu.memref_slice %arg6[%dma_wait3A, %dma_wait3A_63] : memref<8x64xi32, #tpu.memory_space<vmem>> -> memref<1x64xi32, #tpu.memory_space<vmem>>
    %dma_wait3A_65 = tpu.memref_squeeze %dma_wait3A_64 : memref<1x64xi32, #tpu.memory_space<vmem>> -> memref<64xi32, #tpu.memory_space<vmem>>
    %dma_wait3A_66 = arith.constant 0 : i32
    %dma_wait3A_67 = arith.constant 0 : i32
    %dma_wait3A_68 = tpu.memref_slice %arg5[%dma_wait3A_66, %dma_wait3A_67] : memref<1000x128xf32, #tpu.memory_space<vmem_shared>> -> memref<1000x128xf32, #tpu.memory_space<vmem_shared>>
    tpu.wait_indirect_dma semaphore(%arg8 : memref<!tpu.dma_semaphore, #tpu.memory_space<semaphore_mem>>) src(%dma_wait3A_68 : memref<1000x128xf32, #tpu.memory_space<vmem_shared>>) dst(%dma_wait3A_62 : memref<64x128xf32, #tpu.memory_space<vmem>>)
    %add3A_69 = arith.constant 0 : i32
    %add3A_70 = arith.addi %mul3A_2, %add3A_69 : i32
    %dma_start3A_71 = arith.constant 0 : i32
    %dma_start3A_72 = arith.constant 0 : i32
    %dma_start3A_73 = arith.constant 0 : i32
    %dma_start3A_74 = tpu.memref_slice %arg7[%dma_start3A_71, %dma_start3A_72, %dma_start3A_73] : memref<4x64x128xf32, #tpu.memory_space<vmem>> -> memref<1x64x128xf32, #tpu.memory_space<vmem>>
    %dma_start3A_75 = tpu.memref_squeeze %dma_start3A_74 : memref<1x64x128xf32, #tpu.memory_space<vmem>> -> memref<64x128xf32, #tpu.memory_space<vmem>>
    %dma_start3A_76 = arith.constant 0 : i32
    %dma_start3A_77 = tpu.memref_slice %arg4[%add3A_70, %dma_start3A_76] : memref<16384x128xf32, #tpu.memory_space<hbm>> -> memref<64x128xf32, #tpu.memory_space<hbm>>
    %dma_start3A_78 = arith.constant 0 : i32
    %dma_start3A_79 = tpu.memref_slice %arg4[%add3A_70, %dma_start3A_78] : memref<16384x128xf32, #tpu.memory_space<hbm>> -> memref<64x128xf32, #tpu.memory_space<hbm>>
    %dma_start3A_80 = arith.constant 0 : i32
    %dma_start3A_81 = arith.constant 0 : i32
    %dma_start3A_82 = tpu.memref_slice %arg7[%dma_start3A_71, %dma_start3A_80, %dma_start3A_81] : memref<4x64x128xf32, #tpu.memory_space<vmem>> -> memref<1x64x128xf32, #tpu.memory_space<vmem>>
    %dma_start3A_83 = tpu.memref_squeeze %dma_start3A_82 : memref<1x64x128xf32, #tpu.memory_space<vmem>> -> memref<64x128xf32, #tpu.memory_space<vmem>>
    tpu.enqueue_dma source(%dma_start3A_83 : memref<64x128xf32, #tpu.memory_space<vmem>>) target(%dma_start3A_79 : memref<64x128xf32, #tpu.memory_space<hbm>>) target_semaphore(%arg12 : memref<!tpu.dma_semaphore, #tpu.memory_space<semaphore_mem>>)
    %dma_wait3A_84 = arith.constant 1 : i32
    %dma_wait3A_85 = arith.constant 1 : i32
    %dma_wait3A_86 = arith.constant 0 : i32
    %dma_wait3A_87 = arith.constant 0 : i32
    %dma_wait3A_88 = tpu.memref_slice %arg7[%dma_wait3A_85, %dma_wait3A_86, %dma_wait3A_87] : memref<4x64x128xf32, #tpu.memory_space<vmem>> -> memref<1x64x128xf32, #tpu.memory_space<vmem>>
    %dma_wait3A_89 = tpu.memref_squeeze %dma_wait3A_88 : memref<1x64x128xf32, #tpu.memory_space<vmem>> -> memref<64x128xf32, #tpu.memory_space<vmem>>
    %dma_wait3A_90 = arith.constant 0 : i32
    %dma_wait3A_91 = tpu.memref_slice %arg6[%dma_wait3A_84, %dma_wait3A_90] : memref<8x64xi32, #tpu.memory_space<vmem>> -> memref<1x64xi32, #tpu.memory_space<vmem>>
    %dma_wait3A_92 = tpu.memref_squeeze %dma_wait3A_91 : memref<1x64xi32, #tpu.memory_space<vmem>> -> memref<64xi32, #tpu.memory_space<vmem>>
    %dma_wait3A_93 = arith.constant 0 : i32
    %dma_wait3A_94 = arith.constant 0 : i32
    %dma_wait3A_95 = tpu.memref_slice %arg5[%dma_wait3A_93, %dma_wait3A_94] : memref<1000x128xf32, #tpu.memory_space<vmem_shared>> -> memref<1000x128xf32, #tpu.memory_space<vmem_shared>>
    tpu.wait_indirect_dma semaphore(%arg9 : memref<!tpu.dma_semaphore, #tpu.memory_space<semaphore_mem>>) src(%dma_wait3A_95 : memref<1000x128xf32, #tpu.memory_space<vmem_shared>>) dst(%dma_wait3A_89 : memref<64x128xf32, #tpu.memory_space<vmem>>)
    %add3A_96 = arith.constant 64 : i32
    %add3A_97 = arith.addi %mul3A_2, %add3A_96 : i32
    %dma_start3A_98 = arith.constant 1 : i32
    %dma_start3A_99 = arith.constant 0 : i32
    %dma_start3A_100 = arith.constant 0 : i32
    %dma_start3A_101 = tpu.memref_slice %arg7[%dma_start3A_98, %dma_start3A_99, %dma_start3A_100] : memref<4x64x128xf32, #tpu.memory_space<vmem>> -> memref<1x64x128xf32, #tpu.memory_space<vmem>>
    %dma_start3A_102 = tpu.memref_squeeze %dma_start3A_101 : memref<1x64x128xf32, #tpu.memory_space<vmem>> -> memref<64x128xf32, #tpu.memory_space<vmem>>
    %dma_start3A_103 = arith.constant 0 : i32
    %dma_start3A_104 = tpu.memref_slice %arg4[%add3A_97, %dma_start3A_103] : memref<16384x128xf32, #tpu.memory_space<hbm>> -> memref<64x128xf32, #tpu.memory_space<hbm>>
    %dma_start3A_105 = arith.constant 0 : i32
    %dma_start3A_106 = tpu.memref_slice %arg4[%add3A_97, %dma_start3A_105] : memref<16384x128xf32, #tpu.memory_space<hbm>> -> memref<64x128xf32, #tpu.memory_space<hbm>>
    %dma_start3A_107 = arith.constant 0 : i32
    %dma_start3A_108 = arith.constant 0 : i32
    %dma_start3A_109 = tpu.memref_slice %arg7[%dma_start3A_98, %dma_start3A_107, %dma_start3A_108] : memref<4x64x128xf32, #tpu.memory_space<vmem>> -> memref<1x64x128xf32, #tpu.memory_space<vmem>>
    %dma_start3A_110 = tpu.memref_squeeze %dma_start3A_109 : memref<1x64x128xf32, #tpu.memory_space<vmem>> -> memref<64x128xf32, #tpu.memory_space<vmem>>
    tpu.enqueue_dma source(%dma_start3A_110 : memref<64x128xf32, #tpu.memory_space<vmem>>) target(%dma_start3A_106 : memref<64x128xf32, #tpu.memory_space<hbm>>) target_semaphore(%arg13 : memref<!tpu.dma_semaphore, #tpu.memory_space<semaphore_mem>>)
    %dma_wait3A_111 = arith.constant 0 : i32
    %dma_wait3A_112 = arith.constant 0 : i32
    %dma_wait3A_113 = arith.constant 0 : i32
    %dma_wait3A_114 = tpu.memref_slice %arg7[%dma_wait3A_111, %dma_wait3A_112, %dma_wait3A_113] : memref<4x64x128xf32, #tpu.memory_space<vmem>> -> memref<1x64x128xf32, #tpu.memory_space<vmem>>
    %dma_wait3A_115 = tpu.memref_squeeze %dma_wait3A_114 : memref<1x64x128xf32, #tpu.memory_space<vmem>> -> memref<64x128xf32, #tpu.memory_space<vmem>>
    %dma_wait3A_116 = arith.constant 0 : i32
    %dma_wait3A_117 = tpu.memref_slice %arg4[%add3A_70, %dma_wait3A_116] : memref<16384x128xf32, #tpu.memory_space<hbm>> -> memref<64x128xf32, #tpu.memory_space<hbm>>
    %dma_wait3A_118 = arith.constant 0 : i32
    %dma_wait3A_119 = tpu.memref_slice %arg4[%add3A_70, %dma_wait3A_118] : memref<16384x128xf32, #tpu.memory_space<hbm>> -> memref<64x128xf32, #tpu.memory_space<hbm>>
    %dma_wait3A_120 = arith.constant 0 : i32
    %dma_wait3A_121 = arith.constant 0 : i32
    %dma_wait3A_122 = tpu.memref_slice %arg7[%dma_wait3A_111, %dma_wait3A_120, %dma_wait3A_121] : memref<4x64x128xf32, #tpu.memory_space<vmem>> -> memref<1x64x128xf32, #tpu.memory_space<vmem>>
    %dma_wait3A_123 = tpu.memref_squeeze %dma_wait3A_122 : memref<1x64x128xf32, #tpu.memory_space<vmem>> -> memref<64x128xf32, #tpu.memory_space<vmem>>
    tpu.wait_dma2 semaphore(%arg12 : memref<!tpu.dma_semaphore, #tpu.memory_space<semaphore_mem>>) src(%dma_wait3A_123 : memref<64x128xf32, #tpu.memory_space<vmem>>) dst(%dma_wait3A_119 : memref<64x128xf32, #tpu.memory_space<hbm>>)
    %dma_start3A_124 = arith.constant 4 : i32
    %dma_start3A_125 = arith.constant 0 : i32
    %dma_start3A_126 = arith.constant 0 : i32
    %dma_start3A_127 = arith.constant 0 : i32
    %dma_start3A_128 = tpu.memref_slice %arg7[%dma_start3A_125, %dma_start3A_126, %dma_start3A_127] : memref<4x64x128xf32, #tpu.memory_space<vmem>> -> memref<1x64x128xf32, #tpu.memory_space<vmem>>
    %dma_start3A_129 = tpu.memref_squeeze %dma_start3A_128 : memref<1x64x128xf32, #tpu.memory_space<vmem>> -> memref<64x128xf32, #tpu.memory_space<vmem>>
    %dma_start3A_130 = arith.constant 0 : i32
    %dma_start3A_131 = tpu.memref_slice %arg6[%dma_start3A_124, %dma_start3A_130] : memref<8x64xi32, #tpu.memory_space<vmem>> -> memref<1x64xi32, #tpu.memory_space<vmem>>
    %dma_start3A_132 = tpu.memref_squeeze %dma_start3A_131 : memref<1x64xi32, #tpu.memory_space<vmem>> -> memref<64xi32, #tpu.memory_space<vmem>>
    %dma_start3A_133 = arith.constant 0 : i32
    %dma_start3A_134 = arith.constant 0 : i32
    %dma_start3A_135 = tpu.memref_slice %arg5[%dma_start3A_133, %dma_start3A_134] : memref<1000x128xf32, #tpu.memory_space<vmem_shared>> -> memref<1000x128xf32, #tpu.memory_space<vmem_shared>>
    tpu.enqueue_indirect_dma source(%dma_start3A_135 : memref<1000x128xf32, #tpu.memory_space<vmem_shared>>) target(%dma_start3A_129 : memref<64x128xf32, #tpu.memory_space<vmem>>) offsets(%dma_start3A_132 : memref<64xi32, #tpu.memory_space<vmem>>) semaphore(%arg8 : memref<!tpu.dma_semaphore, #tpu.memory_space<semaphore_mem>>)
    %dma_wait3A_136 = arith.constant 2 : i32
    %dma_wait3A_137 = arith.constant 2 : i32
    %dma_wait3A_138 = arith.constant 0 : i32
    %dma_wait3A_139 = arith.constant 0 : i32
    %dma_wait3A_140 = tpu.memref_slice %arg7[%dma_wait3A_137, %dma_wait3A_138, %dma_wait3A_139] : memref<4x64x128xf32, #tpu.memory_space<vmem>> -> memref<1x64x128xf32, #tpu.memory_space<vmem>>
    %dma_wait3A_141 = tpu.memref_squeeze %dma_wait3A_140 : memref<1x64x128xf32, #tpu.memory_space<vmem>> -> memref<64x128xf32, #tpu.memory_space<vmem>>
    %dma_wait3A_142 = arith.constant 0 : i32
    %dma_wait3A_143 = tpu.memref_slice %arg6[%dma_wait3A_136, %dma_wait3A_142] : memref<8x64xi32, #tpu.memory_space<vmem>> -> memref<1x64xi32, #tpu.memory_space<vmem>>
    %dma_wait3A_144 = tpu.memref_squeeze %dma_wait3A_143 : memref<1x64xi32, #tpu.memory_space<vmem>> -> memref<64xi32, #tpu.memory_space<vmem>>
    %dma_wait3A_145 = arith.constant 0 : i32
    %dma_wait3A_146 = arith.constant 0 : i32
    %dma_wait3A_147 = tpu.memref_slice %arg5[%dma_wait3A_145, %dma_wait3A_146] : memref<1000x128xf32, #tpu.memory_space<vmem_shared>> -> memref<1000x128xf32, #tpu.memory_space<vmem_shared>>
    tpu.wait_indirect_dma semaphore(%arg10 : memref<!tpu.dma_semaphore, #tpu.memory_space<semaphore_mem>>) src(%dma_wait3A_147 : memref<1000x128xf32, #tpu.memory_space<vmem_shared>>) dst(%dma_wait3A_141 : memref<64x128xf32, #tpu.memory_space<vmem>>)
    %add3A_148 = arith.constant 128 : i32
    %add3A_149 = arith.addi %mul3A_2, %add3A_148 : i32
    %dma_start3A_150 = arith.constant 2 : i32
    %dma_start3A_151 = arith.constant 0 : i32
    %dma_start3A_152 = arith.constant 0 : i32
    %dma_start3A_153 = tpu.memref_slice %arg7[%dma_start3A_150, %dma_start3A_151, %dma_start3A_152] : memref<4x64x128xf32, #tpu.memory_space<vmem>> -> memref<1x64x128xf32, #tpu.memory_space<vmem>>
    %dma_start3A_154 = tpu.memref_squeeze %dma_start3A_153 : memref<1x64x128xf32, #tpu.memory_space<vmem>> -> memref<64x128xf32, #tpu.memory_space<vmem>>
    %dma_start3A_155 = arith.constant 0 : i32
    %dma_start3A_156 = tpu.memref_slice %arg4[%add3A_149, %dma_start3A_155] : memref<16384x128xf32, #tpu.memory_space<hbm>> -> memref<64x128xf32, #tpu.memory_space<hbm>>
    %dma_start3A_157 = arith.constant 0 : i32
    %dma_start3A_158 = tpu.memref_slice %arg4[%add3A_149, %dma_start3A_157] : memref<16384x128xf32, #tpu.memory_space<hbm>> -> memref<64x128xf32, #tpu.memory_space<hbm>>
    %dma_start3A_159 = arith.constant 0 : i32
    %dma_start3A_160 = arith.constant 0 : i32
    %dma_start3A_161 = tpu.memref_slice %arg7[%dma_start3A_150, %dma_start3A_159, %dma_start3A_160] : memref<4x64x128xf32, #tpu.memory_space<vmem>> -> memref<1x64x128xf32, #tpu.memory_space<vmem>>
    %dma_start3A_162 = tpu.memref_squeeze %dma_start3A_161 : memref<1x64x128xf32, #tpu.memory_space<vmem>> -> memref<64x128xf32, #tpu.memory_space<vmem>>
    tpu.enqueue_dma source(%dma_start3A_162 : memref<64x128xf32, #tpu.memory_space<vmem>>) target(%dma_start3A_158 : memref<64x128xf32, #tpu.memory_space<hbm>>) target_semaphore(%arg14 : memref<!tpu.dma_semaphore, #tpu.memory_space<semaphore_mem>>)
    %dma_wait3A_163 = arith.constant 1 : i32
    %dma_wait3A_164 = arith.constant 0 : i32
    %dma_wait3A_165 = arith.constant 0 : i32
    %dma_wait3A_166 = tpu.memref_slice %arg7[%dma_wait3A_163, %dma_wait3A_164, %dma_wait3A_165] : memref<4x64x128xf32, #tpu.memory_space<vmem>> -> memref<1x64x128xf32, #tpu.memory_space<vmem>>
    %dma_wait3A_167 = tpu.memref_squeeze %dma_wait3A_166 : memref<1x64x128xf32, #tpu.memory_space<vmem>> -> memref<64x128xf32, #tpu.memory_space<vmem>>
    %dma_wait3A_168 = arith.constant 0 : i32
    %dma_wait3A_169 = tpu.memref_slice %arg4[%add3A_97, %dma_wait3A_168] : memref<16384x128xf32, #tpu.memory_space<hbm>> -> memref<64x128xf32, #tpu.memory_space<hbm>>
    %dma_wait3A_170 = arith.constant 0 : i32
    %dma_wait3A_171 = tpu.memref_slice %arg4[%add3A_97, %dma_wait3A_170] : memref<16384x128xf32, #tpu.memory_space<hbm>> -> memref<64x128xf32, #tpu.memory_space<hbm>>
    %dma_wait3A_172 = arith.constant 0 : i32
    %dma_wait3A_173 = arith.constant 0 : i32
    %dma_wait3A_174 = tpu.memref_slice %arg7[%dma_wait3A_163, %dma_wait3A_172, %dma_wait3A_173] : memref<4x64x128xf32, #tpu.memory_space<vmem>> -> memref<1x64x128xf32, #tpu.memory_space<vmem>>
    %dma_wait3A_175 = tpu.memref_squeeze %dma_wait3A_174 : memref<1x64x128xf32, #tpu.memory_space<vmem>> -> memref<64x128xf32, #tpu.memory_space<vmem>>
    tpu.wait_dma2 semaphore(%arg13 : memref<!tpu.dma_semaphore, #tpu.memory_space<semaphore_mem>>) src(%dma_wait3A_175 : memref<64x128xf32, #tpu.memory_space<vmem>>) dst(%dma_wait3A_171 : memref<64x128xf32, #tpu.memory_space<hbm>>)
    %dma_start3A_176 = arith.constant 5 : i32
    %dma_start3A_177 = arith.constant 1 : i32
    %dma_start3A_178 = arith.constant 0 : i32
    %dma_start3A_179 = arith.constant 0 : i32
    %dma_start3A_180 = tpu.memref_slice %arg7[%dma_start3A_177, %dma_start3A_178, %dma_start3A_179] : memref<4x64x128xf32, #tpu.memory_space<vmem>> -> memref<1x64x128xf32, #tpu.memory_space<vmem>>
    %dma_start3A_181 = tpu.memref_squeeze %dma_start3A_180 : memref<1x64x128xf32, #tpu.memory_space<vmem>> -> memref<64x128xf32, #tpu.memory_space<vmem>>
    %dma_start3A_182 = arith.constant 0 : i32
    %dma_start3A_183 = tpu.memref_slice %arg6[%dma_start3A_176, %dma_start3A_182] : memref<8x64xi32, #tpu.memory_space<vmem>> -> memref<1x64xi32, #tpu.memory_space<vmem>>
    %dma_start3A_184 = tpu.memref_squeeze %dma_start3A_183 : memref<1x64xi32, #tpu.memory_space<vmem>> -> memref<64xi32, #tpu.memory_space<vmem>>
    %dma_start3A_185 = arith.constant 0 : i32
    %dma_start3A_186 = arith.constant 0 : i32
    %dma_start3A_187 = tpu.memref_slice %arg5[%dma_start3A_185, %dma_start3A_186] : memref<1000x128xf32, #tpu.memory_space<vmem_shared>> -> memref<1000x128xf32, #tpu.memory_space<vmem_shared>>
    tpu.enqueue_indirect_dma source(%dma_start3A_187 : memref<1000x128xf32, #tpu.memory_space<vmem_shared>>) target(%dma_start3A_181 : memref<64x128xf32, #tpu.memory_space<vmem>>) offsets(%dma_start3A_184 : memref<64xi32, #tpu.memory_space<vmem>>) semaphore(%arg9 : memref<!tpu.dma_semaphore, #tpu.memory_space<semaphore_mem>>)
    %dma_wait3A_188 = arith.constant 3 : i32
    %dma_wait3A_189 = arith.constant 3 : i32
    %dma_wait3A_190 = arith.constant 0 : i32
    %dma_wait3A_191 = arith.constant 0 : i32
    %dma_wait3A_192 = tpu.memref_slice %arg7[%dma_wait3A_189, %dma_wait3A_190, %dma_wait3A_191] : memref<4x64x128xf32, #tpu.memory_space<vmem>> -> memref<1x64x128xf32, #tpu.memory_space<vmem>>
    %dma_wait3A_193 = tpu.memref_squeeze %dma_wait3A_192 : memref<1x64x128xf32, #tpu.memory_space<vmem>> -> memref<64x128xf32, #tpu.memory_space<vmem>>
    %dma_wait3A_194 = arith.constant 0 : i32
    %dma_wait3A_195 = tpu.memref_slice %arg6[%dma_wait3A_188, %dma_wait3A_194] : memref<8x64xi32, #tpu.memory_space<vmem>> -> memref<1x64xi32, #tpu.memory_space<vmem>>
    %dma_wait3A_196 = tpu.memref_squeeze %dma_wait3A_195 : memref<1x64xi32, #tpu.memory_space<vmem>> -> memref<64xi32, #tpu.memory_space<vmem>>
    %dma_wait3A_197 = arith.constant 0 : i32
    %dma_wait3A_198 = arith.constant 0 : i32
    %dma_wait3A_199 = tpu.memref_slice %arg5[%dma_wait3A_197, %dma_wait3A_198] : memref<1000x128xf32, #tpu.memory_space<vmem_shared>> -> memref<1000x128xf32, #tpu.memory_space<vmem_shared>>
    tpu.wait_indirect_dma semaphore(%arg11 : memref<!tpu.dma_semaphore, #tpu.memory_space<semaphore_mem>>) src(%dma_wait3A_199 : memref<1000x128xf32, #tpu.memory_space<vmem_shared>>) dst(%dma_wait3A_193 : memref<64x128xf32, #tpu.memory_space<vmem>>)
    %add3A_200 = arith.constant 192 : i32
    %add3A_201 = arith.addi %mul3A_2, %add3A_200 : i32
    %dma_start3A_202 = arith.constant 3 : i32
    %dma_start3A_203 = arith.constant 0 : i32
    %dma_start3A_204 = arith.constant 0 : i32
    %dma_start3A_205 = tpu.memref_slice %arg7[%dma_start3A_202, %dma_start3A_203, %dma_start3A_204] : memref<4x64x128xf32, #tpu.memory_space<vmem>> -> memref<1x64x128xf32, #tpu.memory_space<vmem>>
    %dma_start3A_206 = tpu.memref_squeeze %dma_start3A_205 : memref<1x64x128xf32, #tpu.memory_space<vmem>> -> memref<64x128xf32, #tpu.memory_space<vmem>>
    %dma_start3A_207 = arith.constant 0 : i32
    %dma_start3A_208 = tpu.memref_slice %arg4[%add3A_201, %dma_start3A_207] : memref<16384x128xf32, #tpu.memory_space<hbm>> -> memref<64x128xf32, #tpu.memory_space<hbm>>
    %dma_start3A_209 = arith.constant 0 : i32
    %dma_start3A_210 = tpu.memref_slice %arg4[%add3A_201, %dma_start3A_209] : memref<16384x128xf32, #tpu.memory_space<hbm>> -> memref<64x128xf32, #tpu.memory_space<hbm>>
    %dma_start3A_211 = arith.constant 0 : i32
    %dma_start3A_212 = arith.constant 0 : i32
    %dma_start3A_213 = tpu.memref_slice %arg7[%dma_start3A_202, %dma_start3A_211, %dma_start3A_212] : memref<4x64x128xf32, #tpu.memory_space<vmem>> -> memref<1x64x128xf32, #tpu.memory_space<vmem>>
    %dma_start3A_214 = tpu.memref_squeeze %dma_start3A_213 : memref<1x64x128xf32, #tpu.memory_space<vmem>> -> memref<64x128xf32, #tpu.memory_space<vmem>>
    tpu.enqueue_dma source(%dma_start3A_214 : memref<64x128xf32, #tpu.memory_space<vmem>>) target(%dma_start3A_210 : memref<64x128xf32, #tpu.memory_space<hbm>>) target_semaphore(%arg15 : memref<!tpu.dma_semaphore, #tpu.memory_space<semaphore_mem>>)
    %dma_wait3A_215 = arith.constant 2 : i32
    %dma_wait3A_216 = arith.constant 0 : i32
    %dma_wait3A_217 = arith.constant 0 : i32
    %dma_wait3A_218 = tpu.memref_slice %arg7[%dma_wait3A_215, %dma_wait3A_216, %dma_wait3A_217] : memref<4x64x128xf32, #tpu.memory_space<vmem>> -> memref<1x64x128xf32, #tpu.memory_space<vmem>>
    %dma_wait3A_219 = tpu.memref_squeeze %dma_wait3A_218 : memref<1x64x128xf32, #tpu.memory_space<vmem>> -> memref<64x128xf32, #tpu.memory_space<vmem>>
    %dma_wait3A_220 = arith.constant 0 : i32
    %dma_wait3A_221 = tpu.memref_slice %arg4[%add3A_149, %dma_wait3A_220] : memref<16384x128xf32, #tpu.memory_space<hbm>> -> memref<64x128xf32, #tpu.memory_space<hbm>>
    %dma_wait3A_222 = arith.constant 0 : i32
    %dma_wait3A_223 = tpu.memref_slice %arg4[%add3A_149, %dma_wait3A_222] : memref<16384x128xf32, #tpu.memory_space<hbm>> -> memref<64x128xf32, #tpu.memory_space<hbm>>
    %dma_wait3A_224 = arith.constant 0 : i32
    %dma_wait3A_225 = arith.constant 0 : i32
    %dma_wait3A_226 = tpu.memref_slice %arg7[%dma_wait3A_215, %dma_wait3A_224, %dma_wait3A_225] : memref<4x64x128xf32, #tpu.memory_space<vmem>> -> memref<1x64x128xf32, #tpu.memory_space<vmem>>
    %dma_wait3A_227 = tpu.memref_squeeze %dma_wait3A_226 : memref<1x64x128xf32, #tpu.memory_space<vmem>> -> memref<64x128xf32, #tpu.memory_space<vmem>>
    tpu.wait_dma2 semaphore(%arg14 : memref<!tpu.dma_semaphore, #tpu.memory_space<semaphore_mem>>) src(%dma_wait3A_227 : memref<64x128xf32, #tpu.memory_space<vmem>>) dst(%dma_wait3A_223 : memref<64x128xf32, #tpu.memory_space<hbm>>)
    %dma_start3A_228 = arith.constant 6 : i32
    %dma_start3A_229 = arith.constant 2 : i32
    %dma_start3A_230 = arith.constant 0 : i32
    %dma_start3A_231 = arith.constant 0 : i32
    %dma_start3A_232 = tpu.memref_slice %arg7[%dma_start3A_229, %dma_start3A_230, %dma_start3A_231] : memref<4x64x128xf32, #tpu.memory_space<vmem>> -> memref<1x64x128xf32, #tpu.memory_space<vmem>>
    %dma_start3A_233 = tpu.memref_squeeze %dma_start3A_232 : memref<1x64x128xf32, #tpu.memory_space<vmem>> -> memref<64x128xf32, #tpu.memory_space<vmem>>
    %dma_start3A_234 = arith.constant 0 : i32
    %dma_start3A_235 = tpu.memref_slice %arg6[%dma_start3A_228, %dma_start3A_234] : memref<8x64xi32, #tpu.memory_space<vmem>> -> memref<1x64xi32, #tpu.memory_space<vmem>>
    %dma_start3A_236 = tpu.memref_squeeze %dma_start3A_235 : memref<1x64xi32, #tpu.memory_space<vmem>> -> memref<64xi32, #tpu.memory_space<vmem>>
    %dma_start3A_237 = arith.constant 0 : i32
    %dma_start3A_238 = arith.constant 0 : i32
    %dma_start3A_239 = tpu.memref_slice %arg5[%dma_start3A_237, %dma_start3A_238] : memref<1000x128xf32, #tpu.memory_space<vmem_shared>> -> memref<1000x128xf32, #tpu.memory_space<vmem_shared>>
    tpu.enqueue_indirect_dma source(%dma_start3A_239 : memref<1000x128xf32, #tpu.memory_space<vmem_shared>>) target(%dma_start3A_233 : memref<64x128xf32, #tpu.memory_space<vmem>>) offsets(%dma_start3A_236 : memref<64xi32, #tpu.memory_space<vmem>>) semaphore(%arg10 : memref<!tpu.dma_semaphore, #tpu.memory_space<semaphore_mem>>)
    %dma_wait3A_240 = arith.constant 4 : i32
    %dma_wait3A_241 = arith.constant 0 : i32
    %dma_wait3A_242 = arith.constant 0 : i32
    %dma_wait3A_243 = arith.constant 0 : i32
    %dma_wait3A_244 = tpu.memref_slice %arg7[%dma_wait3A_241, %dma_wait3A_242, %dma_wait3A_243] : memref<4x64x128xf32, #tpu.memory_space<vmem>> -> memref<1x64x128xf32, #tpu.memory_space<vmem>>
    %dma_wait3A_245 = tpu.memref_squeeze %dma_wait3A_244 : memref<1x64x128xf32, #tpu.memory_space<vmem>> -> memref<64x128xf32, #tpu.memory_space<vmem>>
    %dma_wait3A_246 = arith.constant 0 : i32
    %dma_wait3A_247 = tpu.memref_slice %arg6[%dma_wait3A_240, %dma_wait3A_246] : memref<8x64xi32, #tpu.memory_space<vmem>> -> memref<1x64xi32, #tpu.memory_space<vmem>>
    %dma_wait3A_248 = tpu.memref_squeeze %dma_wait3A_247 : memref<1x64xi32, #tpu.memory_space<vmem>> -> memref<64xi32, #tpu.memory_space<vmem>>
    %dma_wait3A_249 = arith.constant 0 : i32
    %dma_wait3A_250 = arith.constant 0 : i32
    %dma_wait3A_251 = tpu.memref_slice %arg5[%dma_wait3A_249, %dma_wait3A_250] : memref<1000x128xf32, #tpu.memory_space<vmem_shared>> -> memref<1000x128xf32, #tpu.memory_space<vmem_shared>>
    tpu.wait_indirect_dma semaphore(%arg8 : memref<!tpu.dma_semaphore, #tpu.memory_space<semaphore_mem>>) src(%dma_wait3A_251 : memref<1000x128xf32, #tpu.memory_space<vmem_shared>>) dst(%dma_wait3A_245 : memref<64x128xf32, #tpu.memory_space<vmem>>)
    %add3A_252 = arith.constant 256 : i32
    %add3A_253 = arith.addi %mul3A_2, %add3A_252 : i32
    %dma_start3A_254 = arith.constant 0 : i32
    %dma_start3A_255 = arith.constant 0 : i32
    %dma_start3A_256 = arith.constant 0 : i32
    %dma_start3A_257 = tpu.memref_slice %arg7[%dma_start3A_254, %dma_start3A_255, %dma_start3A_256] : memref<4x64x128xf32, #tpu.memory_space<vmem>> -> memref<1x64x128xf32, #tpu.memory_space<vmem>>
    %dma_start3A_258 = tpu.memref_squeeze %dma_start3A_257 : memref<1x64x128xf32, #tpu.memory_space<vmem>> -> memref<64x128xf32, #tpu.memory_space<vmem>>
    %dma_start3A_259 = arith.constant 0 : i32
    %dma_start3A_260 = tpu.memref_slice %arg4[%add3A_253, %dma_start3A_259] : memref<16384x128xf32, #tpu.memory_space<hbm>> -> memref<64x128xf32, #tpu.memory_space<hbm>>
    %dma_start3A_261 = arith.constant 0 : i32
    %dma_start3A_262 = tpu.memref_slice %arg4[%add3A_253, %dma_start3A_261] : memref<16384x128xf32, #tpu.memory_space<hbm>> -> memref<64x128xf32, #tpu.memory_space<hbm>>
    %dma_start3A_263 = arith.constant 0 : i32
    %dma_start3A_264 = arith.constant 0 : i32
    %dma_start3A_265 = tpu.memref_slice %arg7[%dma_start3A_254, %dma_start3A_263, %dma_start3A_264] : memref<4x64x128xf32, #tpu.memory_space<vmem>> -> memref<1x64x128xf32, #tpu.memory_space<vmem>>
    %dma_start3A_266 = tpu.memref_squeeze %dma_start3A_265 : memref<1x64x128xf32, #tpu.memory_space<vmem>> -> memref<64x128xf32, #tpu.memory_space<vmem>>
    tpu.enqueue_dma source(%dma_start3A_266 : memref<64x128xf32, #tpu.memory_space<vmem>>) target(%dma_start3A_262 : memref<64x128xf32, #tpu.memory_space<hbm>>) target_semaphore(%arg12 : memref<!tpu.dma_semaphore, #tpu.memory_space<semaphore_mem>>)
    %dma_wait3A_267 = arith.constant 3 : i32
    %dma_wait3A_268 = arith.constant 0 : i32
    %dma_wait3A_269 = arith.constant 0 : i32
    %dma_wait3A_270 = tpu.memref_slice %arg7[%dma_wait3A_267, %dma_wait3A_268, %dma_wait3A_269] : memref<4x64x128xf32, #tpu.memory_space<vmem>> -> memref<1x64x128xf32, #tpu.memory_space<vmem>>
    %dma_wait3A_271 = tpu.memref_squeeze %dma_wait3A_270 : memref<1x64x128xf32, #tpu.memory_space<vmem>> -> memref<64x128xf32, #tpu.memory_space<vmem>>
    %dma_wait3A_272 = arith.constant 0 : i32
    %dma_wait3A_273 = tpu.memref_slice %arg4[%add3A_201, %dma_wait3A_272] : memref<16384x128xf32, #tpu.memory_space<hbm>> -> memref<64x128xf32, #tpu.memory_space<hbm>>
    %dma_wait3A_274 = arith.constant 0 : i32
    %dma_wait3A_275 = tpu.memref_slice %arg4[%add3A_201, %dma_wait3A_274] : memref<16384x128xf32, #tpu.memory_space<hbm>> -> memref<64x128xf32, #tpu.memory_space<hbm>>
    %dma_wait3A_276 = arith.constant 0 : i32
    %dma_wait3A_277 = arith.constant 0 : i32
    %dma_wait3A_278 = tpu.memref_slice %arg7[%dma_wait3A_267, %dma_wait3A_276, %dma_wait3A_277] : memref<4x64x128xf32, #tpu.memory_space<vmem>> -> memref<1x64x128xf32, #tpu.memory_space<vmem>>
    %dma_wait3A_279 = tpu.memref_squeeze %dma_wait3A_278 : memref<1x64x128xf32, #tpu.memory_space<vmem>> -> memref<64x128xf32, #tpu.memory_space<vmem>>
    tpu.wait_dma2 semaphore(%arg15 : memref<!tpu.dma_semaphore, #tpu.memory_space<semaphore_mem>>) src(%dma_wait3A_279 : memref<64x128xf32, #tpu.memory_space<vmem>>) dst(%dma_wait3A_275 : memref<64x128xf32, #tpu.memory_space<hbm>>)
    %dma_start3A_280 = arith.constant 7 : i32
    %dma_start3A_281 = arith.constant 3 : i32
    %dma_start3A_282 = arith.constant 0 : i32
    %dma_start3A_283 = arith.constant 0 : i32
    %dma_start3A_284 = tpu.memref_slice %arg7[%dma_start3A_281, %dma_start3A_282, %dma_start3A_283] : memref<4x64x128xf32, #tpu.memory_space<vmem>> -> memref<1x64x128xf32, #tpu.memory_space<vmem>>
    %dma_start3A_285 = tpu.memref_squeeze %dma_start3A_284 : memref<1x64x128xf32, #tpu.memory_space<vmem>> -> memref<64x128xf32, #tpu.memory_space<vmem>>
    %dma_start3A_286 = arith.constant 0 : i32
    %dma_start3A_287 = tpu.memref_slice %arg6[%dma_start3A_280, %dma_start3A_286] : memref<8x64xi32, #tpu.memory_space<vmem>> -> memref<1x64xi32, #tpu.memory_space<vmem>>
    %dma_start3A_288 = tpu.memref_squeeze %dma_start3A_287 : memref<1x64xi32, #tpu.memory_space<vmem>> -> memref<64xi32, #tpu.memory_space<vmem>>
    %dma_start3A_289 = arith.constant 0 : i32
    %dma_start3A_290 = arith.constant 0 : i32
    %dma_start3A_291 = tpu.memref_slice %arg5[%dma_start3A_289, %dma_start3A_290] : memref<1000x128xf32, #tpu.memory_space<vmem_shared>> -> memref<1000x128xf32, #tpu.memory_space<vmem_shared>>
    tpu.enqueue_indirect_dma source(%dma_start3A_291 : memref<1000x128xf32, #tpu.memory_space<vmem_shared>>) target(%dma_start3A_285 : memref<64x128xf32, #tpu.memory_space<vmem>>) offsets(%dma_start3A_288 : memref<64xi32, #tpu.memory_space<vmem>>) semaphore(%arg11 : memref<!tpu.dma_semaphore, #tpu.memory_space<semaphore_mem>>)
    %dma_wait3A_292 = arith.constant 5 : i32
    %dma_wait3A_293 = arith.constant 1 : i32
    %dma_wait3A_294 = arith.constant 0 : i32
    %dma_wait3A_295 = arith.constant 0 : i32
    %dma_wait3A_296 = tpu.memref_slice %arg7[%dma_wait3A_293, %dma_wait3A_294, %dma_wait3A_295] : memref<4x64x128xf32, #tpu.memory_space<vmem>> -> memref<1x64x128xf32, #tpu.memory_space<vmem>>
    %dma_wait3A_297 = tpu.memref_squeeze %dma_wait3A_296 : memref<1x64x128xf32, #tpu.memory_space<vmem>> -> memref<64x128xf32, #tpu.memory_space<vmem>>
    %dma_wait3A_298 = arith.constant 0 : i32
    %dma_wait3A_299 = tpu.memref_slice %arg6[%dma_wait3A_292, %dma_wait3A_298] : memref<8x64xi32, #tpu.memory_space<vmem>> -> memref<1x64xi32, #tpu.memory_space<vmem>>
    %dma_wait3A_300 = tpu.memref_squeeze %dma_wait3A_299 : memref<1x64xi32, #tpu.memory_space<vmem>> -> memref<64xi32, #tpu.memory_space<vmem>>
    %dma_wait3A_301 = arith.constant 0 : i32
    %dma_wait3A_302 = arith.constant 0 : i32
    %dma_wait3A_303 = tpu.memref_slice %arg5[%dma_wait3A_301, %dma_wait3A_302] : memref<1000x128xf32, #tpu.memory_space<vmem_shared>> -> memref<1000x128xf32, #tpu.memory_space<vmem_shared>>
    tpu.wait_indirect_dma semaphore(%arg9 : memref<!tpu.dma_semaphore, #tpu.memory_space<semaphore_mem>>) src(%dma_wait3A_303 : memref<1000x128xf32, #tpu.memory_space<vmem_shared>>) dst(%dma_wait3A_297 : memref<64x128xf32, #tpu.memory_space<vmem>>)
    %add3A_304 = arith.constant 320 : i32
    %add3A_305 = arith.addi %mul3A_2, %add3A_304 : i32
    %dma_start3A_306 = arith.constant 1 : i32
    %dma_start3A_307 = arith.constant 0 : i32
    %dma_start3A_308 = arith.constant 0 : i32
    %dma_start3A_309 = tpu.memref_slice %arg7[%dma_start3A_306, %dma_start3A_307, %dma_start3A_308] : memref<4x64x128xf32, #tpu.memory_space<vmem>> -> memref<1x64x128xf32, #tpu.memory_space<vmem>>
    %dma_start3A_310 = tpu.memref_squeeze %dma_start3A_309 : memref<1x64x128xf32, #tpu.memory_space<vmem>> -> memref<64x128xf32, #tpu.memory_space<vmem>>
    %dma_start3A_311 = arith.constant 0 : i32
    %dma_start3A_312 = tpu.memref_slice %arg4[%add3A_305, %dma_start3A_311] : memref<16384x128xf32, #tpu.memory_space<hbm>> -> memref<64x128xf32, #tpu.memory_space<hbm>>
    %dma_start3A_313 = arith.constant 0 : i32
    %dma_start3A_314 = tpu.memref_slice %arg4[%add3A_305, %dma_start3A_313] : memref<16384x128xf32, #tpu.memory_space<hbm>> -> memref<64x128xf32, #tpu.memory_space<hbm>>
    %dma_start3A_315 = arith.constant 0 : i32
    %dma_start3A_316 = arith.constant 0 : i32
    %dma_start3A_317 = tpu.memref_slice %arg7[%dma_start3A_306, %dma_start3A_315, %dma_start3A_316] : memref<4x64x128xf32, #tpu.memory_space<vmem>> -> memref<1x64x128xf32, #tpu.memory_space<vmem>>
    %dma_start3A_318 = tpu.memref_squeeze %dma_start3A_317 : memref<1x64x128xf32, #tpu.memory_space<vmem>> -> memref<64x128xf32, #tpu.memory_space<vmem>>
    tpu.enqueue_dma source(%dma_start3A_318 : memref<64x128xf32, #tpu.memory_space<vmem>>) target(%dma_start3A_314 : memref<64x128xf32, #tpu.memory_space<hbm>>) target_semaphore(%arg13 : memref<!tpu.dma_semaphore, #tpu.memory_space<semaphore_mem>>)
    %dma_wait3A_319 = arith.constant 6 : i32
    %dma_wait3A_320 = arith.constant 2 : i32
    %dma_wait3A_321 = arith.constant 0 : i32
    %dma_wait3A_322 = arith.constant 0 : i32
    %dma_wait3A_323 = tpu.memref_slice %arg7[%dma_wait3A_320, %dma_wait3A_321, %dma_wait3A_322] : memref<4x64x128xf32, #tpu.memory_space<vmem>> -> memref<1x64x128xf32, #tpu.memory_space<vmem>>
    %dma_wait3A_324 = tpu.memref_squeeze %dma_wait3A_323 : memref<1x64x128xf32, #tpu.memory_space<vmem>> -> memref<64x128xf32, #tpu.memory_space<vmem>>
    %dma_wait3A_325 = arith.constant 0 : i32
    %dma_wait3A_326 = tpu.memref_slice %arg6[%dma_wait3A_319, %dma_wait3A_325] : memref<8x64xi32, #tpu.memory_space<vmem>> -> memref<1x64xi32, #tpu.memory_space<vmem>>
    %dma_wait3A_327 = tpu.memref_squeeze %dma_wait3A_326 : memref<1x64xi32, #tpu.memory_space<vmem>> -> memref<64xi32, #tpu.memory_space<vmem>>
    %dma_wait3A_328 = arith.constant 0 : i32
    %dma_wait3A_329 = arith.constant 0 : i32
    %dma_wait3A_330 = tpu.memref_slice %arg5[%dma_wait3A_328, %dma_wait3A_329] : memref<1000x128xf32, #tpu.memory_space<vmem_shared>> -> memref<1000x128xf32, #tpu.memory_space<vmem_shared>>
    tpu.wait_indirect_dma semaphore(%arg10 : memref<!tpu.dma_semaphore, #tpu.memory_space<semaphore_mem>>) src(%dma_wait3A_330 : memref<1000x128xf32, #tpu.memory_space<vmem_shared>>) dst(%dma_wait3A_324 : memref<64x128xf32, #tpu.memory_space<vmem>>)
    %add3A_331 = arith.constant 384 : i32
    %add3A_332 = arith.addi %mul3A_2, %add3A_331 : i32
    %dma_start3A_333 = arith.constant 2 : i32
    %dma_start3A_334 = arith.constant 0 : i32
    %dma_start3A_335 = arith.constant 0 : i32
    %dma_start3A_336 = tpu.memref_slice %arg7[%dma_start3A_333, %dma_start3A_334, %dma_start3A_335] : memref<4x64x128xf32, #tpu.memory_space<vmem>> -> memref<1x64x128xf32, #tpu.memory_space<vmem>>
    %dma_start3A_337 = tpu.memref_squeeze %dma_start3A_336 : memref<1x64x128xf32, #tpu.memory_space<vmem>> -> memref<64x128xf32, #tpu.memory_space<vmem>>
    %dma_start3A_338 = arith.constant 0 : i32
    %dma_start3A_339 = tpu.memref_slice %arg4[%add3A_332, %dma_start3A_338] : memref<16384x128xf32, #tpu.memory_space<hbm>> -> memref<64x128xf32, #tpu.memory_space<hbm>>
    %dma_start3A_340 = arith.constant 0 : i32
    %dma_start3A_341 = tpu.memref_slice %arg4[%add3A_332, %dma_start3A_340] : memref<16384x128xf32, #tpu.memory_space<hbm>> -> memref<64x128xf32, #tpu.memory_space<hbm>>
    %dma_start3A_342 = arith.constant 0 : i32
    %dma_start3A_343 = arith.constant 0 : i32
    %dma_start3A_344 = tpu.memref_slice %arg7[%dma_start3A_333, %dma_start3A_342, %dma_start3A_343] : memref<4x64x128xf32, #tpu.memory_space<vmem>> -> memref<1x64x128xf32, #tpu.memory_space<vmem>>
    %dma_start3A_345 = tpu.memref_squeeze %dma_start3A_344 : memref<1x64x128xf32, #tpu.memory_space<vmem>> -> memref<64x128xf32, #tpu.memory_space<vmem>>
    tpu.enqueue_dma source(%dma_start3A_345 : memref<64x128xf32, #tpu.memory_space<vmem>>) target(%dma_start3A_341 : memref<64x128xf32, #tpu.memory_space<hbm>>) target_semaphore(%arg14 : memref<!tpu.dma_semaphore, #tpu.memory_space<semaphore_mem>>)
    %dma_wait3A_346 = arith.constant 7 : i32
    %dma_wait3A_347 = arith.constant 3 : i32
    %dma_wait3A_348 = arith.constant 0 : i32
    %dma_wait3A_349 = arith.constant 0 : i32
    %dma_wait3A_350 = tpu.memref_slice %arg7[%dma_wait3A_347, %dma_wait3A_348, %dma_wait3A_349] : memref<4x64x128xf32, #tpu.memory_space<vmem>> -> memref<1x64x128xf32, #tpu.memory_space<vmem>>
    %dma_wait3A_351 = tpu.memref_squeeze %dma_wait3A_350 : memref<1x64x128xf32, #tpu.memory_space<vmem>> -> memref<64x128xf32, #tpu.memory_space<vmem>>
    %dma_wait3A_352 = arith.constant 0 : i32
    %dma_wait3A_353 = tpu.memref_slice %arg6[%dma_wait3A_346, %dma_wait3A_352] : memref<8x64xi32, #tpu.memory_space<vmem>> -> memref<1x64xi32, #tpu.memory_space<vmem>>
    %dma_wait3A_354 = tpu.memref_squeeze %dma_wait3A_353 : memref<1x64xi32, #tpu.memory_space<vmem>> -> memref<64xi32, #tpu.memory_space<vmem>>
    %dma_wait3A_355 = arith.constant 0 : i32
    %dma_wait3A_356 = arith.constant 0 : i32
    %dma_wait3A_357 = tpu.memref_slice %arg5[%dma_wait3A_355, %dma_wait3A_356] : memref<1000x128xf32, #tpu.memory_space<vmem_shared>> -> memref<1000x128xf32, #tpu.memory_space<vmem_shared>>
    tpu.wait_indirect_dma semaphore(%arg11 : memref<!tpu.dma_semaphore, #tpu.memory_space<semaphore_mem>>) src(%dma_wait3A_357 : memref<1000x128xf32, #tpu.memory_space<vmem_shared>>) dst(%dma_wait3A_351 : memref<64x128xf32, #tpu.memory_space<vmem>>)
    %add3A_358 = arith.constant 448 : i32
    %add3A_359 = arith.addi %mul3A_2, %add3A_358 : i32
    %dma_start3A_360 = arith.constant 3 : i32
    %dma_start3A_361 = arith.constant 0 : i32
    %dma_start3A_362 = arith.constant 0 : i32
    %dma_start3A_363 = tpu.memref_slice %arg7[%dma_start3A_360, %dma_start3A_361, %dma_start3A_362] : memref<4x64x128xf32, #tpu.memory_space<vmem>> -> memref<1x64x128xf32, #tpu.memory_space<vmem>>
    %dma_start3A_364 = tpu.memref_squeeze %dma_start3A_363 : memref<1x64x128xf32, #tpu.memory_space<vmem>> -> memref<64x128xf32, #tpu.memory_space<vmem>>
    %dma_start3A_365 = arith.constant 0 : i32
    %dma_start3A_366 = tpu.memref_slice %arg4[%add3A_359, %dma_start3A_365] : memref<16384x128xf32, #tpu.memory_space<hbm>> -> memref<64x128xf32, #tpu.memory_space<hbm>>
    %dma_start3A_367 = arith.constant 0 : i32
    %dma_start3A_368 = tpu.memref_slice %arg4[%add3A_359, %dma_start3A_367] : memref<16384x128xf32, #tpu.memory_space<hbm>> -> memref<64x128xf32, #tpu.memory_space<hbm>>
    %dma_start3A_369 = arith.constant 0 : i32
    %dma_start3A_370 = arith.constant 0 : i32
    %dma_start3A_371 = tpu.memref_slice %arg7[%dma_start3A_360, %dma_start3A_369, %dma_start3A_370] : memref<4x64x128xf32, #tpu.memory_space<vmem>> -> memref<1x64x128xf32, #tpu.memory_space<vmem>>
    %dma_start3A_372 = tpu.memref_squeeze %dma_start3A_371 : memref<1x64x128xf32, #tpu.memory_space<vmem>> -> memref<64x128xf32, #tpu.memory_space<vmem>>
    tpu.enqueue_dma source(%dma_start3A_372 : memref<64x128xf32, #tpu.memory_space<vmem>>) target(%dma_start3A_368 : memref<64x128xf32, #tpu.memory_space<hbm>>) target_semaphore(%arg15 : memref<!tpu.dma_semaphore, #tpu.memory_space<semaphore_mem>>)
    %dma_wait3A_373 = arith.constant 0 : i32
    %dma_wait3A_374 = arith.constant 0 : i32
    %dma_wait3A_375 = arith.constant 0 : i32
    %dma_wait3A_376 = tpu.memref_slice %arg7[%dma_wait3A_373, %dma_wait3A_374, %dma_wait3A_375] : memref<4x64x128xf32, #tpu.memory_space<vmem>> -> memref<1x64x128xf32, #tpu.memory_space<vmem>>
    %dma_wait3A_377 = tpu.memref_squeeze %dma_wait3A_376 : memref<1x64x128xf32, #tpu.memory_space<vmem>> -> memref<64x128xf32, #tpu.memory_space<vmem>>
    %dma_wait3A_378 = arith.constant 0 : i32
    %dma_wait3A_379 = tpu.memref_slice %arg4[%add3A_253, %dma_wait3A_378] : memref<16384x128xf32, #tpu.memory_space<hbm>> -> memref<64x128xf32, #tpu.memory_space<hbm>>
    %dma_wait3A_380 = arith.constant 0 : i32
    %dma_wait3A_381 = tpu.memref_slice %arg4[%add3A_253, %dma_wait3A_380] : memref<16384x128xf32, #tpu.memory_space<hbm>> -> memref<64x128xf32, #tpu.memory_space<hbm>>
    %dma_wait3A_382 = arith.constant 0 : i32
    %dma_wait3A_383 = arith.constant 0 : i32
    %dma_wait3A_384 = tpu.memref_slice %arg7[%dma_wait3A_373, %dma_wait3A_382, %dma_wait3A_383] : memref<4x64x128xf32, #tpu.memory_space<vmem>> -> memref<1x64x128xf32, #tpu.memory_space<vmem>>
    %dma_wait3A_385 = tpu.memref_squeeze %dma_wait3A_384 : memref<1x64x128xf32, #tpu.memory_space<vmem>> -> memref<64x128xf32, #tpu.memory_space<vmem>>
    tpu.wait_dma2 semaphore(%arg12 : memref<!tpu.dma_semaphore, #tpu.memory_space<semaphore_mem>>) src(%dma_wait3A_385 : memref<64x128xf32, #tpu.memory_space<vmem>>) dst(%dma_wait3A_381 : memref<64x128xf32, #tpu.memory_space<hbm>>)
    %dma_wait3A_386 = arith.constant 1 : i32
    %dma_wait3A_387 = arith.constant 0 : i32
    %dma_wait3A_388 = arith.constant 0 : i32
    %dma_wait3A_389 = tpu.memref_slice %arg7[%dma_wait3A_386, %dma_wait3A_387, %dma_wait3A_388] : memref<4x64x128xf32, #tpu.memory_space<vmem>> -> memref<1x64x128xf32, #tpu.memory_space<vmem>>
    %dma_wait3A_390 = tpu.memref_squeeze %dma_wait3A_389 : memref<1x64x128xf32, #tpu.memory_space<vmem>> -> memref<64x128xf32, #tpu.memory_space<vmem>>
    %dma_wait3A_391 = arith.constant 0 : i32
    %dma_wait3A_392 = tpu.memref_slice %arg4[%add3A_305, %dma_wait3A_391] : memref<16384x128xf32, #tpu.memory_space<hbm>> -> memref<64x128xf32, #tpu.memory_space<hbm>>
    %dma_wait3A_393 = arith.constant 0 : i32
    %dma_wait3A_394 = tpu.memref_slice %arg4[%add3A_305, %dma_wait3A_393] : memref<16384x128xf32, #tpu.memory_space<hbm>> -> memref<64x128xf32, #tpu.memory_space<hbm>>
    %dma_wait3A_395 = arith.constant 0 : i32
    %dma_wait3A_396 = arith.constant 0 : i32
    %dma_wait3A_397 = tpu.memref_slice %arg7[%dma_wait3A_386, %dma_wait3A_395, %dma_wait3A_396] : memref<4x64x128xf32, #tpu.memory_space<vmem>> -> memref<1x64x128xf32, #tpu.memory_space<vmem>>
    %dma_wait3A_398 = tpu.memref_squeeze %dma_wait3A_397 : memref<1x64x128xf32, #tpu.memory_space<vmem>> -> memref<64x128xf32, #tpu.memory_space<vmem>>
    tpu.wait_dma2 semaphore(%arg13 : memref<!tpu.dma_semaphore, #tpu.memory_space<semaphore_mem>>) src(%dma_wait3A_398 : memref<64x128xf32, #tpu.memory_space<vmem>>) dst(%dma_wait3A_394 : memref<64x128xf32, #tpu.memory_space<hbm>>)
    %dma_wait3A_399 = arith.constant 2 : i32
    %dma_wait3A_400 = arith.constant 0 : i32
    %dma_wait3A_401 = arith.constant 0 : i32
    %dma_wait3A_402 = tpu.memref_slice %arg7[%dma_wait3A_399, %dma_wait3A_400, %dma_wait3A_401] : memref<4x64x128xf32, #tpu.memory_space<vmem>> -> memref<1x64x128xf32, #tpu.memory_space<vmem>>
    %dma_wait3A_403 = tpu.memref_squeeze %dma_wait3A_402 : memref<1x64x128xf32, #tpu.memory_space<vmem>> -> memref<64x128xf32, #tpu.memory_space<vmem>>
    %dma_wait3A_404 = arith.constant 0 : i32
    %dma_wait3A_405 = tpu.memref_slice %arg4[%add3A_332, %dma_wait3A_404] : memref<16384x128xf32, #tpu.memory_space<hbm>> -> memref<64x128xf32, #tpu.memory_space<hbm>>
    %dma_wait3A_406 = arith.constant 0 : i32
    %dma_wait3A_407 = tpu.memref_slice %arg4[%add3A_332, %dma_wait3A_406] : memref<16384x128xf32, #tpu.memory_space<hbm>> -> memref<64x128xf32, #tpu.memory_space<hbm>>
    %dma_wait3A_408 = arith.constant 0 : i32
    %dma_wait3A_409 = arith.constant 0 : i32
    %dma_wait3A_410 = tpu.memref_slice %arg7[%dma_wait3A_399, %dma_wait3A_408, %dma_wait3A_409] : memref<4x64x128xf32, #tpu.memory_space<vmem>> -> memref<1x64x128xf32, #tpu.memory_space<vmem>>
    %dma_wait3A_411 = tpu.memref_squeeze %dma_wait3A_410 : memref<1x64x128xf32, #tpu.memory_space<vmem>> -> memref<64x128xf32, #tpu.memory_space<vmem>>
    tpu.wait_dma2 semaphore(%arg14 : memref<!tpu.dma_semaphore, #tpu.memory_space<semaphore_mem>>) src(%dma_wait3A_411 : memref<64x128xf32, #tpu.memory_space<vmem>>) dst(%dma_wait3A_407 : memref<64x128xf32, #tpu.memory_space<hbm>>)
    %dma_wait3A_412 = arith.constant 3 : i32
    %dma_wait3A_413 = arith.constant 0 : i32
    %dma_wait3A_414 = arith.constant 0 : i32
    %dma_wait3A_415 = tpu.memref_slice %arg7[%dma_wait3A_412, %dma_wait3A_413, %dma_wait3A_414] : memref<4x64x128xf32, #tpu.memory_space<vmem>> -> memref<1x64x128xf32, #tpu.memory_space<vmem>>
    %dma_wait3A_416 = tpu.memref_squeeze %dma_wait3A_415 : memref<1x64x128xf32, #tpu.memory_space<vmem>> -> memref<64x128xf32, #tpu.memory_space<vmem>>
    %dma_wait3A_417 = arith.constant 0 : i32
    %dma_wait3A_418 = tpu.memref_slice %arg4[%add3A_359, %dma_wait3A_417] : memref<16384x128xf32, #tpu.memory_space<hbm>> -> memref<64x128xf32, #tpu.memory_space<hbm>>
    %dma_wait3A_419 = arith.constant 0 : i32
    %dma_wait3A_420 = tpu.memref_slice %arg4[%add3A_359, %dma_wait3A_419] : memref<16384x128xf32, #tpu.memory_space<hbm>> -> memref<64x128xf32, #tpu.memory_space<hbm>>
    %dma_wait3A_421 = arith.constant 0 : i32
    %dma_wait3A_422 = arith.constant 0 : i32
    %dma_wait3A_423 = tpu.memref_slice %arg7[%dma_wait3A_412, %dma_wait3A_421, %dma_wait3A_422] : memref<4x64x128xf32, #tpu.memory_space<vmem>> -> memref<1x64x128xf32, #tpu.memory_space<vmem>>
    %dma_wait3A_424 = tpu.memref_squeeze %dma_wait3A_423 : memref<1x64x128xf32, #tpu.memory_space<vmem>> -> memref<64x128xf32, #tpu.memory_space<vmem>>
    tpu.wait_dma2 semaphore(%arg15 : memref<!tpu.dma_semaphore, #tpu.memory_space<semaphore_mem>>) src(%dma_wait3A_424 : memref<64x128xf32, #tpu.memory_space<vmem>>) dst(%dma_wait3A_420 : memref<64x128xf32, #tpu.memory_space<hbm>>)
    return
  }
}

</mosaic_0001>

<sc_bundles>
// kernel: kernel.3.cloned.1.call-start
scs
__scs_entry_jumppad:
0x0: {  	(pc) =	sbr.rel $0x88, $3  }
0x1: {  	(tag) =	ssettag $0x0;
	lr =	simm.s32 $0x1  }
0x2: {  	[smem:$0x3F9F] =	sst lr;
	_ =	strace $0xD0000000  }
0x3: {  	_ = 	snop  }
0x4: {  	_ = 	snop  }
0x5: {  	_ = 	snop  }
0x6: {  	_ = 	snop  }
0x7: {  	_ = 	snop  }
__scs_overlays_trampoline_lowered:
0x8: {  	[smem:$0x3FAE] =	sst s0  }
0x9: {  	[smem:$0x3FAF] =	sst s1  }
0xa: {  	[smem:$0x3FB0] =	sst s2  }
0xb: {  	[smem:$0x3FB1] =	sst s3  }
0xc: {  	[smem:$0x3FB2] =	sst s4  }
0xd: {  	[smem:$0x3FB3] =	sst s5  }
0xe: {  	[smem:$0x3FB4] =	sst s6  }
0xf: {  	[smem:$0x3FB5] =	sst s7  }
0x10: {  	[smem:$0x3FB6] =	sst s8  }
0x11: {  	[smem:$0x3FB7] =	sst s9;
	s0 =	simm.s32 @!p0 $0x0  }
0x12: {  	s1 =	sld [smem:$0x3F9D];
	s0 =	simm.s32 @p0 $0x1  }
0x13: {  	[smem:$0x3FB8] =	sst s0;
	s0 =	simm.s32 @!p1 $0x0  }
0x14: {  	s2 =	sld [smem:$0x3F9C];
	s0 =	simm.s32 @p1 $0x1  }
0x15: {  	[smem:$0x3FB9] =	sst s0;
	s0 =	simm.s32 @!p2 $0x0  }
0x16: {  	s3 =	sld [smem:$0x3FDB];
	s0 =	simm.s32 @p2 $0x1  }
0x17: {  	s4 =	simm.s32 $0x1BF5;
	[smem:$0x3FBB] =	sst s0  }
0x18: {  	s0 =	sld [smem:$0x3F9E];
	_ =	swait.ge [sflag:s4], $0x0  }
0x19: {  	s7 =	sld [smem:$0x3F9F]  }
0x1a: {  	s8 =	sadd.s32 $0xFFFFE003, lr  }
0x1b: {  	s9 =	sadd.s32 $0xFFFFFEF7, lr;
	s5 =	simm.s32 $0xFFFFFFFF;
	p2 =	slt.u32 s8, $0xFFFFF086  }
0x1c: {  	p1 =	slt.u32 s9, $0xF7A;
	s5 =	simm.s32 @!p2 $0x0  }
0x1d: {  	s5 =	simm.s32 @p1 $0x1;
	p0 =	seq.s32 s7, s2  }
0x1e: {  	s7 =	smul.u32 @!p0 $0xF7A, s2;
	p2 =	seq.s32 @!p0 s5, $0x0  }
0x1f: {  	s9 =	smul.u32 $0xF7A, s1;
	s8 =	simm.s32 @!p0 $0x1BF5;
	p2 =	por !p2, p0  }
0x20: {  	[sflag:s8] =	ssyncset.s32 @!p0 $0xFFFFF086;
	s6 =	sadd.s32 @!p0 s3, s7;
	s7 =	simm.s32 @!p0 $0x108  }
0x21: {  	s3 =	sadd.s32 s3, s9;
	s6 =	sadd.s32 @!p0 $0x88, s6;
	s7 =	simm.s32 @p2 $0x1082  }
0x22: {  	[simem:s7], [sflag:s8] =	dma.local @!p0 [hbm:s6], $0xF7A  }
0x23: {  	s9 =	sor.u32 $0xD0000000, s2;
	s6 =	simm.s32 $0x108;
	_ =	swait.ge @!p0 [sflag:s8], $0x0  }
0x24: {  	s3 =	sadd.s32 $0x88, s3;
	s6 =	simm.s32 @!p1 $0x1082;
	[sflag:s4] =	ssyncset.s32 $0xFFFFF086  }
0x25: {  	[simem:s6], [sflag:s4] =	dma.local [hbm:s3], $0xF7A  }
0x26: {  	[smem:$0x3F9F] =	sst s1;
	(tag) =	ssettag s2;
	_ =	strace s9  }
0x27: {  	s1 =	sld [smem:$0x3FAF]  }
0x28: {  	s2 =	sld [smem:$0x3FB0]  }
0x29: {  	s4 =	sld [smem:$0x3FB2]  }
0x2a: {  	p0 =	seq.s32 s5, $0x0;
	s5 =	sld [smem:$0x3FB3]  }
0x2b: {  	s6 =	sld [smem:$0x3FB4]  }
0x2c: {  	s7 =	sld [smem:$0x3FB5]  }
0x2d: {  	s3 =	simm.s32 $0x108;
	s8 =	sld [smem:$0x3FB6]  }
0x2e: {  	s3 =	simm.s32 @!p0 $0x1082;
	s9 =	sld [smem:$0x3FB7]  }
0x2f: {  	lr =	sadd.s32 s0, s3;
	s0 =	sld [smem:$0x3FAE]  }
0x30: {  	s3 =	sld [smem:$0x3FB1]  }
0x31: {  	[smem:$0x3FBA] =	sst s10  }
0x32: {  	s10 =	sld [smem:$0x3FB8];
	_ =	sdelay $0x3  }
0x33: {  	p0 =	seq.s32 s10, $0x1;
	s10 =	sld [smem:$0x3FBA];
	_ =	sdelay $0x3  }
0x34: {  	[smem:$0x3FBA] =	sst s10  }
0x35: {  	s10 =	sld [smem:$0x3FB9];
	_ =	sdelay $0x3  }
0x36: {  	p1 =	seq.s32 s10, $0x1;
	s10 =	sld [smem:$0x3FBA];
	_ =	sdelay $0x3  }
0x37: {  	[smem:$0x3FBA] =	sst s10  }
0x38: {  	s10 =	sld [smem:$0x3FBB]  }
0x39: {  	_ = 	snop;
	(pc) =	sbr.ind lr, $3  }
0x3a: {  	_ = 	snop  }
0x3b: {  	_ = 	snop  }
0x3c: {  	p2 =	seq.s32 s10, $0x1;
	s10 =	sld [smem:$0x3FBA]  }
0x3d: {  	_ =	shalt  }
0x3e: {  	_ =	shalt  }
0x3f: {  	_ =	shalt  }
0x40: {  	_ =	shalt  }
0x41: {  	_ =	shalt  }
0x42: {  	_ =	shalt  }
0x43: {  	_ =	shalt  }
0x44: {  	_ =	shalt  }
0x45: {  	_ =	shalt  }
0x46: {  	_ =	shalt  }
0x47: {  	_ =	shalt  }
0x48: {  	_ =	shalt  }
0x49: {  	_ =	shalt  }
0x4a: {  	_ =	shalt  }
0x4b: {  	_ =	shalt  }
0x4c: {  	_ =	shalt  }
0x4d: {  	_ =	shalt  }
0x4e: {  	_ =	shalt  }
0x4f: {  	_ =	shalt  }
0x50: {  	_ =	shalt  }
0x51: {  	_ =	shalt  }
0x52: {  	_ =	shalt  }
0x53: {  	_ =	shalt  }
0x54: {  	_ =	shalt  }
0x55: {  	_ =	shalt  }
0x56: {  	_ =	shalt  }
0x57: {  	_ =	shalt  }
0x58: {  	_ =	shalt  }
0x59: {  	_ =	shalt  }
0x5a: {  	_ =	shalt  }
0x5b: {  	_ =	shalt  }
0x5c: {  	_ =	shalt  }
0x5d: {  	_ =	shalt  }
0x5e: {  	_ =	shalt  }
0x5f: {  	_ =	shalt  }
0x60: {  	_ =	shalt  }
0x61: {  	_ =	shalt  }
0x62: {  	_ =	shalt  }
0x63: {  	_ =	shalt  }
0x64: {  	_ =	shalt  }
0x65: {  	_ =	shalt  }
0x66: {  	_ =	shalt  }
0x67: {  	_ =	shalt  }
0x68: {  	_ =	shalt  }
0x69: {  	_ =	shalt  }
0x6a: {  	_ =	shalt  }
0x6b: {  	_ =	shalt  }
0x6c: {  	_ =	shalt  }
0x6d: {  	_ =	shalt  }
0x6e: {  	_ =	shalt  }
0x6f: {  	_ =	shalt  }
0x70: {  	_ =	shalt  }
0x71: {  	_ =	shalt  }
0x72: {  	_ =	shalt  }
0x73: {  	_ =	shalt  }
0x74: {  	_ =	shalt  }
0x75: {  	_ =	shalt  }
0x76: {  	_ =	shalt  }
0x77: {  	_ =	shalt  }
0x78: {  	_ =	shalt  }
0x79: {  	_ =	shalt  }
0x7a: {  	_ =	shalt  }
0x7b: {  	_ =	shalt  }
0x7c: {  	_ =	shalt  }
0x7d: {  	_ =	shalt  }
0x7e: {  	_ =	shalt  }
0x7f: {  	_ =	shalt  }
0x80: {  	_ =	shalt  }
0x81: {  	_ =	shalt  }
0x82: {  	_ =	shalt  }
0x83: {  	_ =	shalt  }
0x84: {  	_ =	shalt  }
0x85: {  	_ =	shalt  }
0x86: {  	_ =	shalt  }
0x87: {  	_ =	shalt  }
.Lfunc_end0:
.L_simem_size_0:
called_computation_lowered:
.L_overlay_start_0:
0x88: {  	s2 =	sld [smem:$0x3FD9]  }
0x89: {  	s3 =	sld [smem:$0x3FFE];
	_ =	sdelay $0x1  }
0x8a: {  	s1 =	srdreg.scid  }
0x8b: {  	s0 =	sand.u32 $0x1, s1  }
0x8c: {  	s17 =	sshll.u32 s0, $0xA;
	s2 =	sadd.s32 s3, s2  }
0x8d: {  	s2 =	sadd.s32 s2, s17  }
0x8e: {  	[smem:$0x3FC6] =	sst s2  }
0x8f: {  	_ = 	snop  }
0x90: {  	s2 =	sld [smem:$0x3FC8]  }
0x91: {  	s18 =	sld [smem:$0x3FD0];
	(tm) =	ssettm $0x1  }
0x92: {  	s4 =	sld [smem:$0x3FFB];
	_ =	sdelay $0x3  }
0x93: {  	_ =	strace s4  }
0x94: {  	s4 =	sld [smem:$0x3FFC];
	_ =	sdelay $0x3  }
0x95: {  	_ =	strace s4  }
0x96: {  	s4 =	sld [smem:$0x3FFD];
	_ =	sdelay $0x3  }
0x97: {  	_ =	strace s4  }
0x98: {  	_ =	strace $0x8FFFFFFF  }
0x99: {  	s19 =	sld [smem:$0x3FDB];
	_ =	sdelay $0x1  }
0x9a: {  	s5 =	simm.s32 $_scs_section_size  }
0x9b: {  	s6 =	simm.s32 $_size__tile_overlayer_lowered;
	s7 =	simm.s32 $_tile_overlayer_lowered  }
0x9c: {  	s22 =	simm.s32 $0x1BFF;
	s21 =	sshll.u32 s7, $0x1;
	s4 =	sadd.s32 s5, s19  }
0x9d: {  	s8 =	simm.s32 $0x0;
	s20 =	sshll.u32 s6, $0x1;
	s6 =	sadd.s32 s21, s4  }
0x9e: {  	[timem:s8], [sflag:s22] =	dma.local [hbm:s6], s20  }
0x9f: {  	_ =	swait.ge [sflag:s22], s20  }
0xa0: {  	s5 =	ssub.s32 $0x0, s20;
	[sflag:s22] =	ssyncset.done $0x0  }
0xa1: {  	[sflag:s22] =	ssyncadd.s32 s5;
	_ =	sdelay $0x1  }
0xa2: {  	s23 =	simm.s32 $0x1B8B  }
0xa3: {  	_ =	swait.ge [sflag:s23], $0x1  }
0xa4: {  	[sflag:s23] =	ssyncset.done $0x0  }
0xa5: {  	s25 =	simm.s32 $0x1B8E;
	s24 =	sld [smem:$0x3FFE];
	[sflag:s23] =	ssyncadd.s32 $0xFFFFFFFF  }
0xa6: {  	s26 =	simm.s32 $execute0_lowered;
	[smem:$0x3FD2] =	sst s25  }
0xa7: {  	s6 =	sshll.u32 s26, $0x1;
	_ =	strace $0x80000046;
	[dreg:$0x1] =	wrdreg $0xFFFFFFFF  }
0xa8: {  	s28 =	simm.s32 $_size_execute0_lowered;
	s4 =	sadd.s32 s4, s6;
	[dreg:$0x0] =	wrdreg $0x0  }
0xa9: {  	s6 =	sshll.u32 s28, $0x1;
	[dreg:$0x2] =	wrdreg s4  }
0xaa: {  	[dreg:$0x3] =	wrdreg s6  }
0xab: {  	[dreg:$0x4] =	wrdreg $0xC0  }
0xac: {  	_ =	task [dreg:s8], $0x5FFFF  }
0xad: {  	[dreg:$0x1] =	wrdreg $0xFFFFFFFF  }
0xae: {  	[dreg:$0x0] =	wrdreg $0x60  }
0xaf: {  	[dreg:$0x2] =	wrdreg s24  }
0xb0: {  	[dreg:$0x3] =	wrdreg s2  }
0xb1: {  	[dreg:$0x4] =	wrdreg s18  }
0xb2: {  	[dreg:$0x5] =	wrdreg $0x0  }
0xb3: {  	[dreg:$0x6] =	wrdreg $0x9  }
0xb4: {  	_ =	task.clear_ibuf [dreg:s8], $0x7FFFF;
	_ =	strace $0x90000046  }
0xb5: {  	s29 =	simm.s32 $0x9;
	_ =	strace $0x80000048  }
0xb6: {  	_ =	swait.ge [sflag:s29], $0x1  }
0xb7: {  	[sflag:s29] =	ssyncadd.s32 $0xFFFFFFFF  }
0xb8: {  	_ =	strace $0x90000048  }
0xb9: {  	_ =	sfence  }
0xba: {  	s30 =	sld [smem:$0x0];
	_ =	sdelay $0x2  }
0xbb: {  	s31 =	sshll.u32 s1, $0xD;
	s1 =	sshrl.u32 s1, $0x2  }
0xbc: {  	s3 =	sand.u32 $0x4000, s31;
	s1 =	sadd.s32 s1, s30  }
0xbd: {  	s0 =	sor.u32 s3, s0;
	s1 =	sshll.u32 s1, $0x11  }
0xbe: {  	s0 =	sor.u32 s1, s0  }
0xbf: {  	s0 =	sadd.s32 $0x8F2B, s0  }
0xc0: {  	[sflag:s0] =	ssyncadd.remote.s32 $0x1  }
0xc1: {  	_ =	sfence.sel $0xFFFF  }
0xc2: {  	[dreg:$0x0] =	wrdreg $0xFFFFFFFF;
	(pc) =	sbr.abs _section_cstart, $3  }
0xc3: {  	[dreg:$0x1] =	wrdreg $0xFFFFFFFF  }
0xc4: {  	_ =	task.clear_ibuf [dreg:s8], $0x2FFFF;
	_ =	strace $0x9FFFFFFF  }
0xc5: {  	(tm) =	ssettm $0x7FFFFFFF  }
tec
execute0_lowered:
.L_overlay_start_1:
0x0: {  	(tag) =	ssettag $0x1  }
0x1: {  	s4 =	rddreg [dreg:$0x0]  }
0x2: {  	s5 =	rddreg [dreg:$0x1]  }
0x3: {  	s6 =	rddreg [dreg:$0x2];
	s1 =	srdreg.scid  }
0x4: {  	s0 =	stileid.u32;
	s2 =	rddreg [dreg:$0x3]  }
0x5: {  	s3 =	simm.s32 $0x0;
	s1 =	sand.u32 $0x1, s1;
	s7 =	sshll.u32 s0, $0x1  }
0x6: {  	[smem:$0x7FF] =	sst s3;
	s9 =	sshll.u32 s0, $0xA;
	p0 =	seq.s32 s0, $0xF  }
0x7: {  	s7 =	sor.u32 s1, s7;
	_ =	strace $0x80000047;
	s15 =	sadd.s32 s5, s9  }
0x8: {  	s5 =	sadd.s32 $0x3C00, s5;
	s8 =	sshll.u32 s7, $0x7;
	[dreg:$0x5] =	wrdreg s15  }
0x9: {  	s7 =	sshll.u32 s7, $0xD;
	[dreg:$0x6] =	wrdreg s5;
	s5 =	sshll.u32 @!p0 s0, $0x6  }
0xa: {  	s4 =	sadd.s32 s8, s4;
	s8 =	sor.u32 @!p0 $0x1C09, s5;
	s9 =	rddreg [dreg:$0x6]  }
0xb: {  	s16 =	sadd.s32 $0x400, s4;
	s4 =	sadd.s32 s6, s7;
	[dreg:$0xf] =	wrdreg s8  }
0xc: {  	[dreg:$0x7] =	wrdreg s16;
	s17 =	sadd.s32 $0x400, s4  }
0xd: {  	s18 =	sadd.s32 $0x800, s4;
	[dreg:$0x8] =	wrdreg s17  }
0xe: {  	s19 =	sadd.s32 $0xC00, s4;
	[dreg:$0x9] =	wrdreg s18  }
0xf: {  	s20 =	sadd.s32 $0x1000, s4;
	[dreg:$0xa] =	wrdreg s19  }
0x10: {  	s22 =	sshll.u32 s0, $0xD;
	s21 =	sadd.s32 $0x1400, s4;
	[dreg:$0xb] =	wrdreg s20  }
0x11: {  	s0 =	simm.s32 @p0 $0x1FC9;
	s23 =	sadd.s32 $0x1800, s4;
	[dreg:$0xc] =	wrdreg s21  }
0x12: {  	s6 =	sadd.s32 s22, s2;
	s24 =	sadd.s32 $0x1C00, s4;
	[dreg:$0xd] =	wrdreg s23  }
0x13: {  	s7 =	sadd.s32 $0x1E000, s2;
	s6 =	sshrl.u32 @!p0 s6, $0x3;
	[dreg:$0xe] =	wrdreg s24  }
0x14: {  	s5 =	sshrl.u32 @p0 s7, $0x3;
	s7 =	simm.s32 @p0 $0x9;
	[dreg:$0x10] =	wrdreg s6  }
0x15: {  	[spmem:s5], [sflag:s0] =	dma.local @p0 [hbm:s9], $0x280  }
0x16: {  	_ =	swait.ge @p0 [sflag:s7], $0x280  }
0x17: {  	s9 =	rddreg [dreg:$0x10]  }
0x18: {  	s10 =	rddreg [dreg:$0x5];
	[sflag:s7] =	ssyncset.done @p0 $0x0  }
0x19: {  	s8 =	simm.s32 @!p0 $0x9;
	s11 =	rddreg [dreg:$0xf];
	[sflag:s7] =	ssyncadd.s32 @p0 $0xFFFFFD80  }
0x1a: {  	[spmem:s9], [sflag:s11] =	dma.local @!p0 [hbm:s10], $0x400  }
0x1b: {  	_ =	swait.ge @!p0 [sflag:s8], $0x400  }
0x1c: {  	s9 =	simm.s32 $0x1F40;
	[sflag:s8] =	ssyncset.done @!p0 $0x0  }
0x1d: {  	s10 =	simm.s32 $0x9;
	s25 =	rddreg [dreg:$0x7];
	[sflag:s8] =	ssyncadd.s32 @!p0 $0xFFFFFC00  }
0x1e: {  	[tilespmem:s9], [sflag:$0x9] =	stream.linear.gather [hbm4b:s25+s3], $0x400, $0x38;
	[tilespmem:$0xA340] =	vst v63  }
0x1f: {  	_ =	swait.ge [sflag:s10], $0x400  }
0x20: {  	[sflag:s10] =	ssyncset.done $0x0  }
0x21: {  	[sflag:s10] =	ssyncadd.s32 $0xFFFFFC00  }
0x22: {  	s12 =	simm.s32 $0x2340;
	s11 =	simm.s32 $0x40;
	[bflag:$0x0] =	sbarrier.arrive $0xFFFF  }
0x23: {  	[tilespmem:s12], [sflag:$0x1] =	stream.indirect.gather [spmem:s2], $0x80, s9, s11, $0xb8;
	[tilespmem:$0xA340] =	vst v63  }
0x24: {  	s26 =	simm.s32 $0x1FC0;
	s14 =	simm.s32 $0x4340  }
0x25: {  	[tilespmem:s14], [sflag:$0x2] =	stream.indirect.gather [spmem:s2], $0x80, s26, s11, $0xb8;
	[tilespmem:$0xA340] =	vst v63  }
0x26: {  	s15 =	simm.s32 $0x2040;
	s16 =	simm.s32 $0x6340  }
0x27: {  	[tilespmem:s16], [sflag:$0x3] =	stream.indirect.gather [spmem:s2], $0x80, s15, s11, $0xb8;
	[tilespmem:$0xA340] =	vst v63  }
0x28: {  	s17 =	simm.s32 $0x20C0;
	s18 =	simm.s32 $0x8340;
	s19 =	simm.s32 $0x1  }
0x29: {  	[tilespmem:s18], [sflag:$0x4] =	stream.indirect.gather [spmem:s2], $0x80, s17, s11, $0xb8;
	[tilespmem:$0xA340] =	vst v63  }
0x2a: {  	_ =	swait.ge [sflag:s19], $0x2000  }
0x2b: {  	[sflag:s19] =	ssyncset.done $0x0  }
0x2c: {  	s20 =	simm.s32 $0x2;
	[sflag:s19] =	ssyncadd.s32 $0xFFFFE000  }
0x2d: {  	[hbm4b:s4+s3] =	stream.linear.scatter [tilespmem:s12], [sflag:$0x5], $0x2000, $0x38;
	[tilespmem:$0xA340] =	vst v63  }
0x2e: {  	_ =	swait.ge [sflag:s20], $0x2000  }
0x2f: {  	[sflag:s20] =	ssyncset.done $0x0  }
0x30: {  	s21 =	simm.s32 $0x5;
	s22 =	rddreg [dreg:$0x8];
	[sflag:s20] =	ssyncadd.s32 $0xFFFFE000  }
0x31: {  	[hbm4b:s22+s3] =	stream.linear.scatter [tilespmem:s14], [sflag:$0x6], $0x2000, $0x38;
	[tilespmem:$0xA340] =	vst v63  }
0x32: {  	_ =	swait.ge [sflag:s21], $0x2000  }
0x33: {  	[sflag:s21] =	ssyncset.done $0x0  }
0x34: {  	s23 =	simm.s32 $0x3;
	s22 =	simm.s32 $0x2140;
	[sflag:s21] =	ssyncadd.s32 $0xFFFFE000  }
0x35: {  	[tilespmem:s12], [sflag:$0x1] =	stream.indirect.gather [spmem:s2], $0x80, s22, s11, $0xb8;
	[tilespmem:$0xA340] =	vst v63  }
0x36: {  	_ =	swait.ge [sflag:s23], $0x2000  }
0x37: {  	[sflag:s23] =	ssyncset.done $0x0  }
0x38: {  	s24 =	rddreg [dreg:$0x9];
	[sflag:s23] =	ssyncadd.s32 $0xFFFFE000  }
0x39: {  	[hbm4b:s24+s3] =	stream.linear.scatter [tilespmem:s16], [sflag:$0x7], $0x2000, $0x38;
	[tilespmem:$0xA340] =	vst v63  }
0x3a: {  	s24 =	simm.s32 $0x6  }
0x3b: {  	_ =	swait.ge [sflag:s24], $0x2000  }
0x3c: {  	[sflag:s24] =	ssyncset.done $0x0  }
0x3d: {  	s25 =	simm.s32 $0x21C0;
	s26 =	simm.s32 $0x4;
	[sflag:s24] =	ssyncadd.s32 $0xFFFFE000  }
0x3e: {  	[tilespmem:s14], [sflag:$0x2] =	stream.indirect.gather [spmem:s2], $0x80, s25, s11, $0xb8;
	[tilespmem:$0xA340] =	vst v63  }
0x3f: {  	_ =	swait.ge [sflag:s26], $0x2000  }
0x40: {  	[sflag:s26] =	ssyncset.done $0x0  }
0x41: {  	s28 =	rddreg [dreg:$0xa];
	[sflag:s26] =	ssyncadd.s32 $0xFFFFE000  }
0x42: {  	[hbm4b:s28+s3] =	stream.linear.scatter [tilespmem:s18], [sflag:$0x8], $0x2000, $0x38;
	[tilespmem:$0xA340] =	vst v63  }
0x43: {  	s28 =	simm.s32 $0x7  }
0x44: {  	_ =	swait.ge [sflag:s28], $0x2000  }
0x45: {  	[sflag:s28] =	ssyncset.done $0x0  }
0x46: {  	s29 =	simm.s32 $0x2240;
	[sflag:s28] =	ssyncadd.s32 $0xFFFFE000  }
0x47: {  	[tilespmem:s16], [sflag:$0x3] =	stream.indirect.gather [spmem:s2], $0x80, s29, s11, $0xb8;
	[tilespmem:$0xA340] =	vst v63  }
0x48: {  	_ =	swait.ge [sflag:s19], $0x2000  }
0x49: {  	[sflag:s19] =	ssyncset.done $0x0  }
0x4a: {  	s30 =	rddreg [dreg:$0xb];
	[sflag:s19] =	ssyncadd.s32 $0xFFFFE000  }
0x4b: {  	[hbm4b:s30+s3] =	stream.linear.scatter [tilespmem:s12], [sflag:$0x5], $0x2000, $0x38;
	[tilespmem:$0xA340] =	vst v63  }
0x4c: {  	s30 =	simm.s32 $0x8  }
0x4d: {  	_ =	swait.ge [sflag:s30], $0x2000  }
0x4e: {  	[sflag:s30] =	ssyncset.done $0x0  }
0x4f: {  	s31 =	simm.s32 $0x22C0;
	[sflag:s30] =	ssyncadd.s32 $0xFFFFE000  }
0x50: {  	[tilespmem:s18], [sflag:$0x4] =	stream.indirect.gather [spmem:s2], $0x80, s31, s11, $0xb8;
	[tilespmem:$0xA340] =	vst v63  }
0x51: {  	_ =	swait.ge [sflag:s20], $0x2000  }
0x52: {  	[sflag:s20] =	ssyncset.done $0x0  }
0x53: {  	s6 =	rddreg [dreg:$0xc];
	[sflag:s20] =	ssyncadd.s32 $0xFFFFE000  }
0x54: {  	[hbm4b:s6+s3] =	stream.linear.scatter [tilespmem:s14], [sflag:$0x6], $0x2000, $0x38;
	[tilespmem:$0xA340] =	vst v63  }
0x55: {  	_ =	swait.ge [sflag:s23], $0x2000  }
0x56: {  	[sflag:s23] =	ssyncset.done $0x0  }
0x57: {  	s13 =	rddreg [dreg:$0xd];
	[sflag:s23] =	ssyncadd.s32 $0xFFFFE000  }
0x58: {  	[hbm4b:s13+s3] =	stream.linear.scatter [tilespmem:s16], [sflag:$0x7], $0x2000, $0x38;
	[tilespmem:$0xA340] =	vst v63  }
0x59: {  	_ =	swait.ge [sflag:s26], $0x2000  }
0x5a: {  	s13 =	ssub.s32 $0x2, s1;
	[sflag:s26] =	ssyncset.done $0x0  }
0x5b: {  	s1 =	sshrl.u32 s13, $0x1;
	s6 =	rddreg [dreg:$0xe];
	[sflag:s26] =	ssyncadd.s32 $0xFFFFE000  }
0x5c: {  	[hbm4b:s6+s3] =	stream.linear.scatter [tilespmem:s18], [sflag:$0x8], $0x2000, $0x38;
	[tilespmem:$0xA340] =	vst v63  }
0x5d: {  	s0 =	ssub.s32 s13, s1;
	_ =	swait.ge [sflag:s21], $0x2000  }
0x5e: {  	s0 =	smax.u32 s0, $0x1;
	[sflag:s21] =	ssyncset.done $0x0  }
0x5f: {  	s1 =	sadd.s32 $0xFFFFFFFF, s0;
	[sflag:s21] =	ssyncadd.s32 $0xFFFFE000  }
0x60: {  	p1 =	sne.s32 s1, $0x0;
	_ =	swait.ge [sflag:s24], $0x2000  }
.Ltmp0:
0x61: {  	[sflag:s24] =	ssyncset.done $0x0;
	(pc) =	sbr.rel @!p1 .LBB2_2-.Ltmp0, $4  }
0x62: {  	[sflag:s24] =	ssyncadd.s32 $0xFFFFE000  }
0x63: {  	_ =	swait.ge [sflag:s28], $0x2000  }
0x64: {  	[sflag:s28] =	ssyncset.done $0x0  }
0x65: {  	[sflag:s28] =	ssyncadd.s32 $0xFFFFE000  }
.LBB2_1:
0x66: {  	_ =	swait.ge [sflag:s30], $0x2000  }
0x67: {  	[sflag:s30] =	ssyncset.done $0x0  }
0x68: {  	s6 =	simm.s32 @p0 $0x1FC9;
	s0 =	rddreg [dreg:$0x6];
	[sflag:s30] =	ssyncadd.s32 $0xFFFFE000  }
0x69: {  	[spmem:s5], [sflag:s6] =	dma.local @p0 [hbm:s0], $0x280  }
0x6a: {  	_ =	swait.ge @p0 [sflag:s7], $0x280  }
0x6b: {  	s0 =	rddreg [dreg:$0x10]  }
0x6c: {  	[sflag:s7] =	ssyncset.done @p0 $0x0;
	s6 =	rddreg [dreg:$0x5]  }
0x6d: {  	s13 =	rddreg [dreg:$0xf];
	[sflag:s7] =	ssyncadd.s32 @p0 $0xFFFFFD80  }
0x6e: {  	[spmem:s0], [sflag:s13] =	dma.local @!p0 [hbm:s6], $0x400  }
0x6f: {  	_ =	swait.ge @!p0 [sflag:s8], $0x400  }
0x70: {  	[sflag:s8] =	ssyncset.done @!p0 $0x0  }
0x71: {  	s13 =	rddreg [dreg:$0x7];
	[sflag:s8] =	ssyncadd.s32 @!p0 $0xFFFFFC00  }
0x72: {  	[tilespmem:s9], [sflag:$0x9] =	stream.linear.gather [hbm4b:s13+s3], $0x400, $0x38;
	[tilespmem:$0xA340] =	vst v63  }
0x73: {  	_ =	swait.ge [sflag:s10], $0x400  }
0x74: {  	[sflag:s10] =	ssyncset.done $0x0  }
0x75: {  	[sflag:s10] =	ssyncadd.s32 $0xFFFFFC00  }
0x76: {  	[bflag:$0x0] =	sbarrier.arrive $0xFFFF  }
0x77: {  	[tilespmem:s12], [sflag:$0x1] =	stream.indirect.gather [spmem:s2], $0x80, s9, s11, $0xb8;
	[tilespmem:$0xA340] =	vst v63  }
0x78: {  	s6 =	simm.s32 $0x1FC0  }
0x79: {  	[tilespmem:s14], [sflag:$0x2] =	stream.indirect.gather [spmem:s2], $0x80, s6, s11, $0xb8;
	[tilespmem:$0xA340] =	vst v63  }
0x7a: {  	_ = 	snop  }
0x7b: {  	[tilespmem:s16], [sflag:$0x3] =	stream.indirect.gather [spmem:s2], $0x80, s15, s11, $0xb8;
	[tilespmem:$0xA340] =	vst v63  }
0x7c: {  	_ = 	snop  }
0x7d: {  	[tilespmem:s18], [sflag:$0x4] =	stream.indirect.gather [spmem:s2], $0x80, s17, s11, $0xb8;
	[tilespmem:$0xA340] =	vst v63  }
0x7e: {  	_ =	swait.ge [sflag:s19], $0x2000  }
0x7f: {  	[sflag:s19] =	ssyncset.done $0x0  }
0x80: {  	[sflag:s19] =	ssyncadd.s32 $0xFFFFE000  }
0x81: {  	[hbm4b:s4+s3] =	stream.linear.scatter [tilespmem:s12], [sflag:$0x5], $0x2000, $0x38;
	[tilespmem:$0xA340] =	vst v63  }
0x82: {  	_ =	swait.ge [sflag:s20], $0x2000  }
0x83: {  	[sflag:s20] =	ssyncset.done $0x0  }
0x84: {  	s13 =	rddreg [dreg:$0x8];
	[sflag:s20] =	ssyncadd.s32 $0xFFFFE000  }
0x85: {  	[hbm4b:s13+s3] =	stream.linear.scatter [tilespmem:s14], [sflag:$0x6], $0x2000, $0x38;
	[tilespmem:$0xA340] =	vst v63  }
0x86: {  	_ =	swait.ge [sflag:s21], $0x2000  }
0x87: {  	[sflag:s21] =	ssyncset.done $0x0  }
0x88: {  	[sflag:s21] =	ssyncadd.s32 $0xFFFFE000  }
0x89: {  	[tilespmem:s12], [sflag:$0x1] =	stream.indirect.gather [spmem:s2], $0x80, s22, s11, $0xb8;
	[tilespmem:$0xA340] =	vst v63  }
0x8a: {  	_ =	swait.ge [sflag:s23], $0x2000  }
0x8b: {  	[sflag:s23] =	ssyncset.done $0x0  }
0x8c: {  	s6 =	rddreg [dreg:$0x9];
	[sflag:s23] =	ssyncadd.s32 $0xFFFFE000  }
0x8d: {  	[hbm4b:s6+s3] =	stream.linear.scatter [tilespmem:s16], [sflag:$0x7], $0x2000, $0x38;
	[tilespmem:$0xA340] =	vst v63  }
0x8e: {  	_ =	swait.ge [sflag:s24], $0x2000  }
0x8f: {  	[sflag:s24] =	ssyncset.done $0x0  }
0x90: {  	[sflag:s24] =	ssyncadd.s32 $0xFFFFE000  }
0x91: {  	[tilespmem:s14], [sflag:$0x2] =	stream.indirect.gather [spmem:s2], $0x80, s25, s11, $0xb8;
	[tilespmem:$0xA340] =	vst v63  }
0x92: {  	_ =	swait.ge [sflag:s26], $0x2000  }
0x93: {  	[sflag:s26] =	ssyncset.done $0x0  }
0x94: {  	s13 =	rddreg [dreg:$0xa];
	[sflag:s26] =	ssyncadd.s32 $0xFFFFE000  }
0x95: {  	[hbm4b:s13+s3] =	stream.linear.scatter [tilespmem:s18], [sflag:$0x8], $0x2000, $0x38;
	[tilespmem:$0xA340] =	vst v63  }
0x96: {  	_ =	swait.ge [sflag:s28], $0x2000  }
0x97: {  	[sflag:s28] =	ssyncset.done $0x0  }
0x98: {  	[sflag:s28] =	ssyncadd.s32 $0xFFFFE000  }
0x99: {  	[tilespmem:s16], [sflag:$0x3] =	stream.indirect.gather [spmem:s2], $0x80, s29, s11, $0xb8;
	[tilespmem:$0xA340] =	vst v63  }
0x9a: {  	_ =	swait.ge [sflag:s19], $0x2000  }
0x9b: {  	[sflag:s19] =	ssyncset.done $0x0  }
0x9c: {  	s6 =	rddreg [dreg:$0xb];
	[sflag:s19] =	ssyncadd.s32 $0xFFFFE000  }
0x9d: {  	[hbm4b:s6+s3] =	stream.linear.scatter [tilespmem:s12], [sflag:$0x5], $0x2000, $0x38;
	[tilespmem:$0xA340] =	vst v63  }
0x9e: {  	_ =	swait.ge [sflag:s30], $0x2000  }
0x9f: {  	[sflag:s30] =	ssyncset.done $0x0  }
0xa0: {  	[sflag:s30] =	ssyncadd.s32 $0xFFFFE000  }
0xa1: {  	[tilespmem:s18], [sflag:$0x4] =	stream.indirect.gather [spmem:s2], $0x80, s31, s11, $0xb8;
	[tilespmem:$0xA340] =	vst v63  }
0xa2: {  	_ =	swait.ge [sflag:s20], $0x2000  }
0xa3: {  	[sflag:s20] =	ssyncset.done $0x0  }
0xa4: {  	s13 =	rddreg [dreg:$0xc];
	[sflag:s20] =	ssyncadd.s32 $0xFFFFE000  }
0xa5: {  	[hbm4b:s13+s3] =	stream.linear.scatter [tilespmem:s14], [sflag:$0x6], $0x2000, $0x38;
	[tilespmem:$0xA340] =	vst v63  }
0xa6: {  	_ =	swait.ge [sflag:s23], $0x2000  }
0xa7: {  	[sflag:s23] =	ssyncset.done $0x0  }
0xa8: {  	s6 =	rddreg [dreg:$0xd];
	[sflag:s23] =	ssyncadd.s32 $0xFFFFE000  }
0xa9: {  	[hbm4b:s6+s3] =	stream.linear.scatter [tilespmem:s16], [sflag:$0x7], $0x2000, $0x38;
	[tilespmem:$0xA340] =	vst v63  }
0xaa: {  	_ =	swait.ge [sflag:s26], $0x2000  }
0xab: {  	[sflag:s26] =	ssyncset.done $0x0  }
0xac: {  	s13 =	rddreg [dreg:$0xe];
	[sflag:s26] =	ssyncadd.s32 $0xFFFFE000  }
0xad: {  	[hbm4b:s13+s3] =	stream.linear.scatter [tilespmem:s18], [sflag:$0x8], $0x2000, $0x38;
	[tilespmem:$0xA340] =	vst v63  }
0xae: {  	_ =	swait.ge [sflag:s21], $0x2000  }
0xaf: {  	[sflag:s21] =	ssyncset.done $0x0  }
0xb0: {  	s1 =	sadd.s32 $0xFFFFFFFF, s1;
	[sflag:s21] =	ssyncadd.s32 $0xFFFFE000  }
0xb1: {  	p1 =	sne.s32 s1, $0x0;
	_ =	swait.ge [sflag:s24], $0x2000  }
.Ltmp1:
0xb2: {  	[sflag:s24] =	ssyncset.done $0x0;
	(pc) =	sbr.rel @p1 .LBB2_1-.Ltmp1, $4  }
0xb3: {  	[sflag:s24] =	ssyncadd.s32 $0xFFFFE000  }
0xb4: {  	_ =	swait.ge [sflag:s28], $0x2000  }
0xb5: {  	[sflag:s28] =	ssyncset.done $0x0  }
0xb6: {  	[sflag:s28] =	ssyncadd.s32 $0xFFFFE000  }
.LBB2_2:
0xb7: {  	_ =	swait.ge [sflag:s30], $0x2000  }
0xb8: {  	[sflag:s30] =	ssyncset.done $0x0  }
0xb9: {  	[sflag:s30] =	ssyncadd.s32 $0xFFFFE000  }
0xba: {  	_ =	sfence.sel $0x180000  }
0xbb: {  	[bflag:$0x0] =	sbarrier.arrive $0xFFFF  }
0xbc: {  	_ =	strace $0x90000047  }
0xbd: {  	s0 =	stileid.u32;
	[bflag:$0x2] =	sbarrier.arrive $0xFFFF  }
0xbe: {  	p0 =	sne.s32 s0, $0x0;
	s0 =	rddreg [dreg:$0x4]  }
0xbf: {  	s0 =	sadd.s32 @!p0 $0x100000, s0  }
0xc0: {  	[sflag:s0] =	ssyncadd.tile.s32 @!p0 $0x1;
	_ =	shalt  }
.Lfunc_end2:
_tile_overlayer_lowered:
.L_overlay_start_2:
0xc1: {  	(tag) =	ssettag $0x2  }
0xc2: {  	s0 =	rddreg [dreg:$0x0];
	s2 =	stileid.u32  }
0xc3: {  	s1 =	rddreg [dreg:$0x1];
	p0 =	sne.s32 s2, $0x0  }
0xc4: {  	s3 =	rddreg [dreg:$0x2];
	[bflag:$0x3] =	sbarrier.arrive $0xFFFF;
	s2 =	simm.s32 @!p0 $0x1C09  }
0xc5: {  	[timem:s3], [sflag:s2] =	dma.local @!p0 [hbm:s0], s1  }
0xc6: {  	s0 =	simm.s32 @!p0 $0x9  }
0xc7: {  	_ =	swait.ge @!p0 [sflag:s0], s1  }
0xc8: {  	s1 =	ssub.s32 @!p0 $0x0, s1;
	[sflag:s0] =	ssyncset.done @!p0 $0x0  }
0xc9: {  	[sflag:s0] =	ssyncadd.s32 @!p0 s1  }
0xca: {  	[bflag:$0x3] =	sbarrier.arrive $0xFFFF  }
0xcb: {  	_ =	shalt  }

</sc_bundles>
